<compile_context>
chip_gen: v7x
topology: tpu7x:2x2x1
jax: 0.10.2.dev20260603
libtpu: 0.0.44.dev20260713+nightly
codegen_flags: <defaults>
</compile_context>

<pallas_src>
import functools

import jax
import jax.numpy as jnp
from jax import lax
from jax.experimental import pallas as pl
from jax.experimental.pallas import tpu as pltpu
from jax.experimental.pallas import tpu_sc as plsc

NUM_CORES = 2
NUM_SUBCORES = 16
NUM_WORKERS = NUM_CORES * NUM_SUBCORES
LANES = 16


def _sc_encode(item_flat, cate_flat, item_emb, cate_emb, pos_seq, *,
               seq_len, batch, dim, chunk):
  n_ids = seq_len * batch
  per_worker = n_ids // NUM_WORKERS
  n_chunks = per_worker // chunk
  assert n_chunks % 2 == 0 and batch % chunk == 0 and per_worker % chunk == 0
  assert n_ids * dim % 128 == 0

  mesh = plsc.VectorSubcoreMesh(core_axis_name="c", subcore_axis_name="s")

  @functools.partial(
      pl.kernel,
      out_type=jax.ShapeDtypeStruct((n_ids * dim // 128, 128), jnp.float32),
      mesh=mesh,
      scratch_types=[
          pltpu.VMEM((2, chunk), jnp.int32),
          pltpu.VMEM((2, chunk), jnp.int32),
          pltpu.VMEM((2, chunk, dim), jnp.float32),
          pltpu.VMEM((2, chunk, dim), jnp.float32),
          pltpu.VMEM((2, chunk * dim // 128, 128), jnp.float32),
          pltpu.VMEM((seq_len, dim), jnp.float32),
          pltpu.SemaphoreType.DMA,
          pltpu.SemaphoreType.DMA,
          pltpu.SemaphoreType.DMA,
          pltpu.SemaphoreType.DMA,
      ],
      compiler_params=pltpu.CompilerParams(use_tc_tiling_on_sc=False),
  )
  def k(ii_hbm, ci_hbm, item_hbm, cate_hbm, pos_hbm, out128_hbm,
        ii_v, ci_v, irow_v, crow_v, out_v, pos_v, gs0, gs1, ws0, ws1):
    gsem = (gs0, gs1)
    wsem = (ws0, ws1)
    wid = lax.axis_index("s") * NUM_CORES + lax.axis_index("c")
    wbase = wid * per_worker

    pltpu.sync_copy(pos_hbm, pos_v)

    def fetch(c, s):
      base = wbase + c * chunk
      pltpu.sync_copy(ii_hbm.at[pl.ds(base, chunk)], ii_v.at[s])
      pltpu.sync_copy(ci_hbm.at[pl.ds(base, chunk)], ci_v.at[s])
      pltpu.async_copy(item_hbm.at[ii_v.at[s]], irow_v.at[s], gsem[s])
      pltpu.async_copy(cate_hbm.at[ci_v.at[s]], crow_v.at[s], gsem[s])

    def wait_gathers(s):
      pltpu.make_async_copy(item_hbm.at[ii_v.at[s]], irow_v.at[s], gsem[s]).wait()
      pltpu.make_async_copy(cate_hbm.at[ci_v.at[s]], crow_v.at[s], gsem[s]).wait()

    fold = chunk * dim // 128

    def wb_desc(c, s):
      base = (wbase + c * chunk) * dim // 128
      return pltpu.make_async_copy(
          out_v.at[s], out128_hbm.at[pl.ds(base, fold)], wsem[s])

    fetch(0, 0)

    @pl.loop(0, n_chunks, step=2)
    def _(g):
      for s in range(2):
        c = g + s
        sn = 1 - s

        @pl.when(c >= 1)
        def _():
          wb_desc(c - 1, sn).wait()

        @pl.when(c + 1 < n_chunks)
        def _():
          fetch(c + 1, sn)

        wait_gathers(s)

        lg = (wbase + c * chunk) // batch
        prow = [pos_v[lg, pl.ds(cc * LANES, LANES)] for cc in range(dim // LANES)]
        per_row = 128 // dim

        @plsc.parallel_loop(0, fold, unroll=4)
        def _(j):
          i0 = j * per_row
          for q in range(per_row):
            for cc in range(dim // LANES):
              src = pl.ds(cc * LANES, LANES)
              dst = pl.ds(q * dim + cc * LANES, LANES)
              out_v[s, j, dst] = (irow_v[s, i0 + q, src]
                                  + crow_v[s, i0 + q, src] + prow[cc])

        wb_desc(c, s).start()

    wb_desc(n_chunks - 1, (n_chunks - 1) % 2).wait()

  return k(item_flat, cate_flat, item_emb, cate_emb, pos_seq)


def _tc_mask(length, *, batch, seq_len):
  def body(len_ref, out_ref):
    io = lax.broadcasted_iota(jnp.int32, (batch, seq_len), 1)
    out_ref[...] = io < len_ref[...]

  return pl.pallas_call(
      body,
      out_shape=jax.ShapeDtypeStruct((batch, seq_len), jnp.bool_),
  )(length)


def kernel(item_id, cate_id, length, item_emb, cate_emb, pos_emb):
  batch, seq_len = item_id.shape
  dim = item_emb.shape[1]
  n_ids = batch * seq_len
  chunk = 512

  item_flat = item_id.T.reshape(n_ids)
  cate_flat = cate_id.T.reshape(n_ids)
  pos_seq = pos_emb[:seq_len]

  out = _sc_encode(item_flat, cate_flat, item_emb, cate_emb, pos_seq,
                   seq_len=seq_len, batch=batch, dim=dim, chunk=chunk)
  seq = jnp.transpose(out.reshape(seq_len, batch, dim), (1, 0, 2))
  mask = _tc_mask(length, batch=batch, seq_len=seq_len)
  return seq, mask

# --- scband reference (transcript-rebuilt; emitter-appended) ---
"""Pipeline reference for scband-fixed-encoder-44452911513702 (READ-ONLY COPY).

The authoritative reference and input builder live on the scoring server;
editing this copy changes nothing except your own understanding.
"""

import jax, jax.numpy as jnp
import numpy as np

B, L, D = 4096, 200, 32
ITEM_VOCAB = 1000000 + 2
CATE_VOCAB = 1000 + 2
MAX_LENGTH = 200

def setup_inputs(seed: int = 0) -> dict:
    key = jax.random.key(seed)
    k1, k2, k3, k4, k5, k6 = jax.random.split(key, 6)
    return {
        "item_id": jax.random.randint(k1, (B, L), 0, 1000000),
        "cate_id": jax.random.randint(k2, (B, L), 0, 1000),
        "length": jax.random.randint(k3, (B, 1), 0, 200),
        "item_emb": jax.random.normal(k4, (ITEM_VOCAB, D), dtype=jnp.float32) * 0.02,
        "cate_emb": jax.random.normal(k5, (CATE_VOCAB, D), dtype=jnp.float32) * 0.02,
        "pos_emb": jax.random.normal(k6, (MAX_LENGTH + 1, D), dtype=jnp.float32) * 0.02,
    }

def reference(item_id, cate_id, length, item_emb, cate_emb, pos_emb):
    # per-field sequence embeddings, summed over fields (torch.stack(...).sum(0))
    seq = jnp.take(item_emb, item_id, axis=0) + jnp.take(cate_emb, cate_id, axis=0)
    batch_size, seq_len = item_id.shape
    positions = jnp.broadcast_to(jnp.arange(seq_len)[None, :], (batch_size, seq_len))
    seq = seq + jnp.take(pos_emb, positions, axis=0)
    # dropout(p=0.0) / eval mode -> identity
    lengths = jnp.squeeze(length, axis=-1)
    mask = jnp.arange(seq_len)[None, :] < lengths[:, None]
    return (seq, mask)

if __name__ == "__main__":
    import jax
    _d = setup_inputs()
    print(jax.jit(kernel)(*tuple(_d.values())))

</pallas_src>

<mosaic_0001>
#map = affine_map<(d0, d1) -> (0)>
#map1 = affine_map<(d0, d1) -> (0, 0)>
module attributes {stable_mosaic.version = 14 : i64} {
  func.func @k(%arg0: i32, %arg1: i32, %arg2: memref<819200xi32, #tpu.memory_space<hbm>>, %arg3: memref<819200xi32, #tpu.memory_space<hbm>>, %arg4: memref<1000002x32xf32, #tpu.memory_space<hbm>>, %arg5: memref<1002x32xf32, #tpu.memory_space<hbm>>, %arg6: memref<200x32xf32, #tpu.memory_space<hbm>>, %arg7: memref<204800x128xf32, #tpu.memory_space<hbm>>, %arg8: memref<2x512xi32, #tpu.memory_space<vmem>>, %arg9: memref<2x512xi32, #tpu.memory_space<vmem>>, %arg10: memref<2x512x32xf32, #tpu.memory_space<vmem>>, %arg11: memref<2x512x32xf32, #tpu.memory_space<vmem>>, %arg12: memref<2x128x128xf32, #tpu.memory_space<vmem>>, %arg13: memref<200x32xf32, #tpu.memory_space<vmem>>, %arg14: memref<!tpu.dma_semaphore, #tpu.memory_space<semaphore_mem>>, %arg15: memref<!tpu.dma_semaphore, #tpu.memory_space<semaphore_mem>>, %arg16: memref<!tpu.dma_semaphore, #tpu.memory_space<semaphore_mem>>, %arg17: memref<!tpu.dma_semaphore, #tpu.memory_space<semaphore_mem>>) attributes {dimension_semantics = [#tpu.dimension_semantics<core_parallel>, #tpu.dimension_semantics<subcore_parallel>], iteration_bounds = array<i64: 2, 16>, scalar_prefetch = 0 : i64, scratch_operands = 10 : i64, tpu.core_type = #tpu.core_type<sc_vector_subcore>, window_params = [{transform_indices = #map}, {transform_indices = #map}, {transform_indices = #map1}, {transform_indices = #map1}, {transform_indices = #map1}, {transform_indices = #map1}]} {
    %mul3A = arith.constant 2 : i32
    %mul3A_0 = arith.muli %arg1, %mul3A : i32
    %add3A = arith.addi %mul3A_0, %arg0 : i32
    %mul3A_1 = arith.constant 25600 : i32
    %mul3A_2 = arith.muli %add3A, %mul3A_1 : i32
    "tpu.region"() ({
      %run_scoped3A_65 = tpu.sem_alloc : memref<!tpu.dma_semaphore, #tpu.memory_space<semaphore_mem>>
      tpu.enqueue_dma source(%arg6 : memref<200x32xf32, #tpu.memory_space<hbm>>) target(%arg13 : memref<200x32xf32, #tpu.memory_space<vmem>>) target_semaphore(%run_scoped3A_65 : memref<!tpu.dma_semaphore, #tpu.memory_space<semaphore_mem>>)
      tpu.wait_dma2 semaphore(%run_scoped3A_65 : memref<!tpu.dma_semaphore, #tpu.memory_space<semaphore_mem>>) src(%arg6 : memref<200x32xf32, #tpu.memory_space<hbm>>) dst(%arg13 : memref<200x32xf32, #tpu.memory_space<vmem>>)
      tpu.yield
    }) : () -> ()
    %add3A_3 = arith.constant 0 : i32
    %add3A_4 = arith.addi %mul3A_2, %add3A_3 : i32
    %run_scoped3A = arith.constant 0 : i32
    "tpu.region"() ({
      %run_scoped3A_65 = tpu.sem_alloc : memref<!tpu.dma_semaphore, #tpu.memory_space<semaphore_mem>>
      %dma_start3A_66 = arith.constant 0 : i32
      %dma_start3A_67 = tpu.memref_slice %arg8[%run_scoped3A, %dma_start3A_66] : memref<2x512xi32, #tpu.memory_space<vmem>> -> memref<1x512xi32, #tpu.memory_space<vmem>>
      %dma_start3A_68 = tpu.memref_squeeze %dma_start3A_67 : memref<1x512xi32, #tpu.memory_space<vmem>> -> memref<512xi32, #tpu.memory_space<vmem>>
      %dma_start3A_69 = tpu.memref_slice %arg2[%add3A_4] : memref<819200xi32, #tpu.memory_space<hbm>> -> memref<512xi32, #tpu.memory_space<hbm>>
      %dma_start3A_70 = arith.constant 0 : i32
      %dma_start3A_71 = tpu.memref_slice %arg8[%run_scoped3A, %dma_start3A_70] : memref<2x512xi32, #tpu.memory_space<vmem>> -> memref<1x512xi32, #tpu.memory_space<vmem>>
      %dma_start3A_72 = tpu.memref_squeeze %dma_start3A_71 : memref<1x512xi32, #tpu.memory_space<vmem>> -> memref<512xi32, #tpu.memory_space<vmem>>
      %dma_start3A_73 = tpu.memref_slice %arg2[%add3A_4] : memref<819200xi32, #tpu.memory_space<hbm>> -> memref<512xi32, #tpu.memory_space<hbm>>
      tpu.enqueue_dma source(%dma_start3A_73 : memref<512xi32, #tpu.memory_space<hbm>>) target(%dma_start3A_72 : memref<512xi32, #tpu.memory_space<vmem>>) target_semaphore(%run_scoped3A_65 : memref<!tpu.dma_semaphore, #tpu.memory_space<semaphore_mem>>)
      %dma_wait3A_74 = arith.constant 0 : i32
      %dma_wait3A_75 = tpu.memref_slice %arg8[%run_scoped3A, %dma_wait3A_74] : memref<2x512xi32, #tpu.memory_space<vmem>> -> memref<1x512xi32, #tpu.memory_space<vmem>>
      %dma_wait3A_76 = tpu.memref_squeeze %dma_wait3A_75 : memref<1x512xi32, #tpu.memory_space<vmem>> -> memref<512xi32, #tpu.memory_space<vmem>>
      %dma_wait3A_77 = tpu.memref_slice %arg2[%add3A_4] : memref<819200xi32, #tpu.memory_space<hbm>> -> memref<512xi32, #tpu.memory_space<hbm>>
      %dma_wait3A_78 = arith.constant 0 : i32
      %dma_wait3A_79 = tpu.memref_slice %arg8[%run_scoped3A, %dma_wait3A_78] : memref<2x512xi32, #tpu.memory_space<vmem>> -> memref<1x512xi32, #tpu.memory_space<vmem>>
      %dma_wait3A_80 = tpu.memref_squeeze %dma_wait3A_79 : memref<1x512xi32, #tpu.memory_space<vmem>> -> memref<512xi32, #tpu.memory_space<vmem>>
      %dma_wait3A_81 = tpu.memref_slice %arg2[%add3A_4] : memref<819200xi32, #tpu.memory_space<hbm>> -> memref<512xi32, #tpu.memory_space<hbm>>
      tpu.wait_dma2 semaphore(%run_scoped3A_65 : memref<!tpu.dma_semaphore, #tpu.memory_space<semaphore_mem>>) src(%dma_wait3A_81 : memref<512xi32, #tpu.memory_space<hbm>>) dst(%dma_wait3A_80 : memref<512xi32, #tpu.memory_space<vmem>>)
      tpu.yield
    }) : () -> ()
    %run_scoped3A_5 = arith.constant 0 : i32
    "tpu.region"() ({
      %run_scoped3A_65 = tpu.sem_alloc : memref<!tpu.dma_semaphore, #tpu.memory_space<semaphore_mem>>
      %dma_start3A_66 = arith.constant 0 : i32
      %dma_start3A_67 = tpu.memref_slice %arg9[%run_scoped3A_5, %dma_start3A_66] : memref<2x512xi32, #tpu.memory_space<vmem>> -> memref<1x512xi32, #tpu.memory_space<vmem>>
      %dma_start3A_68 = tpu.memref_squeeze %dma_start3A_67 : memref<1x512xi32, #tpu.memory_space<vmem>> -> memref<512xi32, #tpu.memory_space<vmem>>
      %dma_start3A_69 = tpu.memref_slice %arg3[%add3A_4] : memref<819200xi32, #tpu.memory_space<hbm>> -> memref<512xi32, #tpu.memory_space<hbm>>
      %dma_start3A_70 = arith.constant 0 : i32
      %dma_start3A_71 = tpu.memref_slice %arg9[%run_scoped3A_5, %dma_start3A_70] : memref<2x512xi32, #tpu.memory_space<vmem>> -> memref<1x512xi32, #tpu.memory_space<vmem>>
      %dma_start3A_72 = tpu.memref_squeeze %dma_start3A_71 : memref<1x512xi32, #tpu.memory_space<vmem>> -> memref<512xi32, #tpu.memory_space<vmem>>
      %dma_start3A_73 = tpu.memref_slice %arg3[%add3A_4] : memref<819200xi32, #tpu.memory_space<hbm>> -> memref<512xi32, #tpu.memory_space<hbm>>
      tpu.enqueue_dma source(%dma_start3A_73 : memref<512xi32, #tpu.memory_space<hbm>>) target(%dma_start3A_72 : memref<512xi32, #tpu.memory_space<vmem>>) target_semaphore(%run_scoped3A_65 : memref<!tpu.dma_semaphore, #tpu.memory_space<semaphore_mem>>)
      %dma_wait3A_74 = arith.constant 0 : i32
      %dma_wait3A_75 = tpu.memref_slice %arg9[%run_scoped3A_5, %dma_wait3A_74] : memref<2x512xi32, #tpu.memory_space<vmem>> -> memref<1x512xi32, #tpu.memory_space<vmem>>
      %dma_wait3A_76 = tpu.memref_squeeze %dma_wait3A_75 : memref<1x512xi32, #tpu.memory_space<vmem>> -> memref<512xi32, #tpu.memory_space<vmem>>
      %dma_wait3A_77 = tpu.memref_slice %arg3[%add3A_4] : memref<819200xi32, #tpu.memory_space<hbm>> -> memref<512xi32, #tpu.memory_space<hbm>>
      %dma_wait3A_78 = arith.constant 0 : i32
      %dma_wait3A_79 = tpu.memref_slice %arg9[%run_scoped3A_5, %dma_wait3A_78] : memref<2x512xi32, #tpu.memory_space<vmem>> -> memref<1x512xi32, #tpu.memory_space<vmem>>
      %dma_wait3A_80 = tpu.memref_squeeze %dma_wait3A_79 : memref<1x512xi32, #tpu.memory_space<vmem>> -> memref<512xi32, #tpu.memory_space<vmem>>
      %dma_wait3A_81 = tpu.memref_slice %arg3[%add3A_4] : memref<819200xi32, #tpu.memory_space<hbm>> -> memref<512xi32, #tpu.memory_space<hbm>>
      tpu.wait_dma2 semaphore(%run_scoped3A_65 : memref<!tpu.dma_semaphore, #tpu.memory_space<semaphore_mem>>) src(%dma_wait3A_81 : memref<512xi32, #tpu.memory_space<hbm>>) dst(%dma_wait3A_80 : memref<512xi32, #tpu.memory_space<vmem>>)
      tpu.yield
    }) : () -> ()
    %dma_start3A = arith.constant 0 : i32
    %dma_start3A_6 = arith.constant 0 : i32
    %dma_start3A_7 = arith.constant 0 : i32
    %dma_start3A_8 = arith.constant 0 : i32
    %dma_start3A_9 = tpu.memref_slice %arg10[%dma_start3A_6, %dma_start3A_7, %dma_start3A_8] : memref<2x512x32xf32, #tpu.memory_space<vmem>> -> memref<1x512x32xf32, #tpu.memory_space<vmem>>
    %dma_start3A_10 = tpu.memref_squeeze %dma_start3A_9 : memref<1x512x32xf32, #tpu.memory_space<vmem>> -> memref<512x32xf32, #tpu.memory_space<vmem>>
    %dma_start3A_11 = arith.constant 0 : i32
    %dma_start3A_12 = tpu.memref_slice %arg8[%dma_start3A, %dma_start3A_11] : memref<2x512xi32, #tpu.memory_space<vmem>> -> memref<1x512xi32, #tpu.memory_space<vmem>>
    %dma_start3A_13 = tpu.memref_squeeze %dma_start3A_12 : memref<1x512xi32, #tpu.memory_space<vmem>> -> memref<512xi32, #tpu.memory_space<vmem>>
    %dma_start3A_14 = arith.constant 0 : i32
    %dma_start3A_15 = arith.constant 0 : i32
    %dma_start3A_16 = tpu.memref_slice %arg4[%dma_start3A_14, %dma_start3A_15] : memref<1000002x32xf32, #tpu.memory_space<hbm>> -> memref<1000002x32xf32, #tpu.memory_space<hbm>>
    tpu.enqueue_indirect_dma source(%dma_start3A_16 : memref<1000002x32xf32, #tpu.memory_space<hbm>>) target(%dma_start3A_10 : memref<512x32xf32, #tpu.memory_space<vmem>>) offsets(%dma_start3A_13 : memref<512xi32, #tpu.memory_space<vmem>>) semaphore(%arg14 : memref<!tpu.dma_semaphore, #tpu.memory_space<semaphore_mem>>)
    %dma_start3A_17 = arith.constant 0 : i32
    %dma_start3A_18 = arith.constant 0 : i32
    %dma_start3A_19 = arith.constant 0 : i32
    %dma_start3A_20 = arith.constant 0 : i32
    %dma_start3A_21 = tpu.memref_slice %arg11[%dma_start3A_18, %dma_start3A_19, %dma_start3A_20] : memref<2x512x32xf32, #tpu.memory_space<vmem>> -> memref<1x512x32xf32, #tpu.memory_space<vmem>>
    %dma_start3A_22 = tpu.memref_squeeze %dma_start3A_21 : memref<1x512x32xf32, #tpu.memory_space<vmem>> -> memref<512x32xf32, #tpu.memory_space<vmem>>
    %dma_start3A_23 = arith.constant 0 : i32
    %dma_start3A_24 = tpu.memref_slice %arg9[%dma_start3A_17, %dma_start3A_23] : memref<2x512xi32, #tpu.memory_space<vmem>> -> memref<1x512xi32, #tpu.memory_space<vmem>>
    %dma_start3A_25 = tpu.memref_squeeze %dma_start3A_24 : memref<1x512xi32, #tpu.memory_space<vmem>> -> memref<512xi32, #tpu.memory_space<vmem>>
    %dma_start3A_26 = arith.constant 0 : i32
    %dma_start3A_27 = arith.constant 0 : i32
    %dma_start3A_28 = tpu.memref_slice %arg5[%dma_start3A_26, %dma_start3A_27] : memref<1002x32xf32, #tpu.memory_space<hbm>> -> memref<1002x32xf32, #tpu.memory_space<hbm>>
    tpu.enqueue_indirect_dma source(%dma_start3A_28 : memref<1002x32xf32, #tpu.memory_space<hbm>>) target(%dma_start3A_22 : memref<512x32xf32, #tpu.memory_space<vmem>>) offsets(%dma_start3A_25 : memref<512xi32, #tpu.memory_space<vmem>>) semaphore(%arg14 : memref<!tpu.dma_semaphore, #tpu.memory_space<semaphore_mem>>)
    %scan3A = arith.constant 0 : i32
    %scan3A_29 = arith.constant 25 : i32
    %scan3A_30 = arith.addi %scan3A, %scan3A_29 : i32
    %scan3A_31 = arith.constant 1 : i32
    scf.for %scan3A_65 = %scan3A to %scan3A_30 step %scan3A_31  : i32 {
      %mul3A_66 = arith.constant 2 : i32
      %mul3A_67 = arith.muli %scan3A_65, %mul3A_66 : i32
      %add3A_68 = arith.constant 0 : i32
      %add3A_69 = arith.addi %add3A_68, %mul3A_67 : i32
      %add3A_70 = arith.constant 0 : i32
      %add3A_71 = arith.addi %add3A_69, %add3A_70 : i32
      %ge3A = arith.constant 1 : i32
      %ge3A_72 = arith.cmpi sge, %add3A_71, %ge3A : i32
      %convert_element_type3A = arith.extui %ge3A_72 : i1 to i32
      %cond3A = arith.constant 0 : i32
      %cond3A_73 = arith.cmpi ne, %convert_element_type3A, %cond3A : i32
      scf.if %cond3A_73 {
        %sub3A_300 = arith.constant 1 : i32
        %sub3A_301 = arith.subi %add3A_71, %sub3A_300 : i32
        %mul3A_302 = arith.constant 512 : i32
        %mul3A_303 = arith.muli %sub3A_301, %mul3A_302 : i32
        %add3A_304 = arith.addi %mul3A_2, %mul3A_303 : i32
        %mul3A_305 = arith.constant 32 : i32
        %mul3A_306 = arith.muli %add3A_304, %mul3A_305 : i32
        %jit3A_307 = arith.constant 128 : i32
        %div3A_308 = arith.divsi %mul3A_306, %jit3A_307 : i32
        %sign3A_309 = arith.constant 0 : i32
        %sign3A_310 = arith.cmpi sgt, %mul3A_306, %sign3A_309 : i32
        %sign3A_311 = arith.extui %sign3A_310 : i1 to i32
        %sign3A_312 = arith.constant 0 : i32
        %sign3A_313 = arith.cmpi slt, %mul3A_306, %sign3A_312 : i32
        %sign3A_314 = arith.extui %sign3A_313 : i1 to i32
        %sign3A_315 = arith.subi %sign3A_311, %sign3A_314 : i32
        %sign3A_316 = arith.constant 0 : i32
        %sign3A_317 = arith.cmpi sgt, %jit3A_307, %sign3A_316 : i32
        %sign3A_318 = arith.extui %sign3A_317 : i1 to i32
        %sign3A_319 = arith.constant 0 : i32
        %sign3A_320 = arith.cmpi slt, %jit3A_307, %sign3A_319 : i32
        %sign3A_321 = arith.extui %sign3A_320 : i1 to i32
        %sign3A_322 = arith.subi %sign3A_318, %sign3A_321 : i32
        %ne3A_323 = arith.cmpi ne, %sign3A_315, %sign3A_322 : i32
        %rem3A_324 = arith.remsi %mul3A_306, %jit3A_307 : i32
        %ne3A_325 = arith.constant 0 : i32
        %ne3A_326 = arith.cmpi ne, %rem3A_324, %ne3A_325 : i32
        %and3A_327 = arith.andi %ne3A_323, %ne3A_326 : i1
        %sub3A_328 = arith.constant 1 : i32
        %sub3A_329 = arith.subi %div3A_308, %sub3A_328 : i32
        %select_n3A_330 = arith.select %and3A_327, %sub3A_329, %div3A_308 : i32
        %dma_wait3A_331 = arith.constant 1 : i32
        %dma_wait3A_332 = arith.constant 0 : i32
        %dma_wait3A_333 = arith.constant 0 : i32
        %dma_wait3A_334 = tpu.memref_slice %arg12[%dma_wait3A_331, %dma_wait3A_332, %dma_wait3A_333] : memref<2x128x128xf32, #tpu.memory_space<vmem>> -> memref<1x128x128xf32, #tpu.memory_space<vmem>>
        %dma_wait3A_335 = tpu.memref_squeeze %dma_wait3A_334 : memref<1x128x128xf32, #tpu.memory_space<vmem>> -> memref<128x128xf32, #tpu.memory_space<vmem>>
        %dma_wait3A_336 = arith.constant 0 : i32
        %dma_wait3A_337 = tpu.memref_slice %arg7[%select_n3A_330, %dma_wait3A_336] : memref<204800x128xf32, #tpu.memory_space<hbm>> -> memref<128x128xf32, #tpu.memory_space<hbm>>
        %dma_wait3A_338 = arith.constant 0 : i32
        %dma_wait3A_339 = tpu.memref_slice %arg7[%select_n3A_330, %dma_wait3A_338] : memref<204800x128xf32, #tpu.memory_space<hbm>> -> memref<128x128xf32, #tpu.memory_space<hbm>>
        %dma_wait3A_340 = arith.constant 0 : i32
        %dma_wait3A_341 = arith.constant 0 : i32
        %dma_wait3A_342 = tpu.memref_slice %arg12[%dma_wait3A_331, %dma_wait3A_340, %dma_wait3A_341] : memref<2x128x128xf32, #tpu.memory_space<vmem>> -> memref<1x128x128xf32, #tpu.memory_space<vmem>>
        %dma_wait3A_343 = tpu.memref_squeeze %dma_wait3A_342 : memref<1x128x128xf32, #tpu.memory_space<vmem>> -> memref<128x128xf32, #tpu.memory_space<vmem>>
        tpu.wait_dma2 semaphore(%arg17 : memref<!tpu.dma_semaphore, #tpu.memory_space<semaphore_mem>>) src(%dma_wait3A_343 : memref<128x128xf32, #tpu.memory_space<vmem>>) dst(%dma_wait3A_339 : memref<128x128xf32, #tpu.memory_space<hbm>>)
      } else {
      }
      %add3A_74 = arith.constant 1 : i32
      %add3A_75 = arith.addi %add3A_71, %add3A_74 : i32
      %lt3A = arith.constant 50 : i32
      %lt3A_76 = arith.cmpi slt, %add3A_75, %lt3A : i32
      %convert_element_type3A_77 = arith.extui %lt3A_76 : i1 to i32
      %cond3A_78 = arith.constant 0 : i32
      %cond3A_79 = arith.cmpi ne, %convert_element_type3A_77, %cond3A_78 : i32
      scf.if %cond3A_79 {
        %add3A_300 = arith.constant 1 : i32
        %add3A_301 = arith.addi %add3A_71, %add3A_300 : i32
        %mul3A_302 = arith.constant 512 : i32
        %mul3A_303 = arith.muli %add3A_301, %mul3A_302 : i32
        %add3A_304 = arith.addi %mul3A_2, %mul3A_303 : i32
        %run_scoped3A_305 = arith.constant 1 : i32
        "tpu.region"() ({
          %run_scoped3A_331 = tpu.sem_alloc : memref<!tpu.dma_semaphore, #tpu.memory_space<semaphore_mem>>
          %dma_start3A_332 = arith.constant 0 : i32
          %dma_start3A_333 = tpu.memref_slice %arg8[%run_scoped3A_305, %dma_start3A_332] : memref<2x512xi32, #tpu.memory_space<vmem>> -> memref<1x512xi32, #tpu.memory_space<vmem>>
          %dma_start3A_334 = tpu.memref_squeeze %dma_start3A_333 : memref<1x512xi32, #tpu.memory_space<vmem>> -> memref<512xi32, #tpu.memory_space<vmem>>
          %dma_start3A_335 = tpu.memref_slice %arg2[%add3A_304] : memref<819200xi32, #tpu.memory_space<hbm>> -> memref<512xi32, #tpu.memory_space<hbm>>
          %dma_start3A_336 = arith.constant 0 : i32
          %dma_start3A_337 = tpu.memref_slice %arg8[%run_scoped3A_305, %dma_start3A_336] : memref<2x512xi32, #tpu.memory_space<vmem>> -> memref<1x512xi32, #tpu.memory_space<vmem>>
          %dma_start3A_338 = tpu.memref_squeeze %dma_start3A_337 : memref<1x512xi32, #tpu.memory_space<vmem>> -> memref<512xi32, #tpu.memory_space<vmem>>
          %dma_start3A_339 = tpu.memref_slice %arg2[%add3A_304] : memref<819200xi32, #tpu.memory_space<hbm>> -> memref<512xi32, #tpu.memory_space<hbm>>
          tpu.enqueue_dma source(%dma_start3A_339 : memref<512xi32, #tpu.memory_space<hbm>>) target(%dma_start3A_338 : memref<512xi32, #tpu.memory_space<vmem>>) target_semaphore(%run_scoped3A_331 : memref<!tpu.dma_semaphore, #tpu.memory_space<semaphore_mem>>)
          %dma_wait3A_340 = arith.constant 0 : i32
          %dma_wait3A_341 = tpu.memref_slice %arg8[%run_scoped3A_305, %dma_wait3A_340] : memref<2x512xi32, #tpu.memory_space<vmem>> -> memref<1x512xi32, #tpu.memory_space<vmem>>
          %dma_wait3A_342 = tpu.memref_squeeze %dma_wait3A_341 : memref<1x512xi32, #tpu.memory_space<vmem>> -> memref<512xi32, #tpu.memory_space<vmem>>
          %dma_wait3A_343 = tpu.memref_slice %arg2[%add3A_304] : memref<819200xi32, #tpu.memory_space<hbm>> -> memref<512xi32, #tpu.memory_space<hbm>>
          %dma_wait3A_344 = arith.constant 0 : i32
          %dma_wait3A_345 = tpu.memref_slice %arg8[%run_scoped3A_305, %dma_wait3A_344] : memref<2x512xi32, #tpu.memory_space<vmem>> -> memref<1x512xi32, #tpu.memory_space<vmem>>
          %dma_wait3A_346 = tpu.memref_squeeze %dma_wait3A_345 : memref<1x512xi32, #tpu.memory_space<vmem>> -> memref<512xi32, #tpu.memory_space<vmem>>
          %dma_wait3A_347 = tpu.memref_slice %arg2[%add3A_304] : memref<819200xi32, #tpu.memory_space<hbm>> -> memref<512xi32, #tpu.memory_space<hbm>>
          tpu.wait_dma2 semaphore(%run_scoped3A_331 : memref<!tpu.dma_semaphore, #tpu.memory_space<semaphore_mem>>) src(%dma_wait3A_347 : memref<512xi32, #tpu.memory_space<hbm>>) dst(%dma_wait3A_346 : memref<512xi32, #tpu.memory_space<vmem>>)
          tpu.yield
        }) : () -> ()
        %run_scoped3A_306 = arith.constant 1 : i32
        "tpu.region"() ({
          %run_scoped3A_331 = tpu.sem_alloc : memref<!tpu.dma_semaphore, #tpu.memory_space<semaphore_mem>>
          %dma_start3A_332 = arith.constant 0 : i32
          %dma_start3A_333 = tpu.memref_slice %arg9[%run_scoped3A_306, %dma_start3A_332] : memref<2x512xi32, #tpu.memory_space<vmem>> -> memref<1x512xi32, #tpu.memory_space<vmem>>
          %dma_start3A_334 = tpu.memref_squeeze %dma_start3A_333 : memref<1x512xi32, #tpu.memory_space<vmem>> -> memref<512xi32, #tpu.memory_space<vmem>>
          %dma_start3A_335 = tpu.memref_slice %arg3[%add3A_304] : memref<819200xi32, #tpu.memory_space<hbm>> -> memref<512xi32, #tpu.memory_space<hbm>>
          %dma_start3A_336 = arith.constant 0 : i32
          %dma_start3A_337 = tpu.memref_slice %arg9[%run_scoped3A_306, %dma_start3A_336] : memref<2x512xi32, #tpu.memory_space<vmem>> -> memref<1x512xi32, #tpu.memory_space<vmem>>
          %dma_start3A_338 = tpu.memref_squeeze %dma_start3A_337 : memref<1x512xi32, #tpu.memory_space<vmem>> -> memref<512xi32, #tpu.memory_space<vmem>>
          %dma_start3A_339 = tpu.memref_slice %arg3[%add3A_304] : memref<819200xi32, #tpu.memory_space<hbm>> -> memref<512xi32, #tpu.memory_space<hbm>>
          tpu.enqueue_dma source(%dma_start3A_339 : memref<512xi32, #tpu.memory_space<hbm>>) target(%dma_start3A_338 : memref<512xi32, #tpu.memory_space<vmem>>) target_semaphore(%run_scoped3A_331 : memref<!tpu.dma_semaphore, #tpu.memory_space<semaphore_mem>>)
          %dma_wait3A_340 = arith.constant 0 : i32
          %dma_wait3A_341 = tpu.memref_slice %arg9[%run_scoped3A_306, %dma_wait3A_340] : memref<2x512xi32, #tpu.memory_space<vmem>> -> memref<1x512xi32, #tpu.memory_space<vmem>>
          %dma_wait3A_342 = tpu.memref_squeeze %dma_wait3A_341 : memref<1x512xi32, #tpu.memory_space<vmem>> -> memref<512xi32, #tpu.memory_space<vmem>>
          %dma_wait3A_343 = tpu.memref_slice %arg3[%add3A_304] : memref<819200xi32, #tpu.memory_space<hbm>> -> memref<512xi32, #tpu.memory_space<hbm>>
          %dma_wait3A_344 = arith.constant 0 : i32
          %dma_wait3A_345 = tpu.memref_slice %arg9[%run_scoped3A_306, %dma_wait3A_344] : memref<2x512xi32, #tpu.memory_space<vmem>> -> memref<1x512xi32, #tpu.memory_space<vmem>>
          %dma_wait3A_346 = tpu.memref_squeeze %dma_wait3A_345 : memref<1x512xi32, #tpu.memory_space<vmem>> -> memref<512xi32, #tpu.memory_space<vmem>>
          %dma_wait3A_347 = tpu.memref_slice %arg3[%add3A_304] : memref<819200xi32, #tpu.memory_space<hbm>> -> memref<512xi32, #tpu.memory_space<hbm>>
          tpu.wait_dma2 semaphore(%run_scoped3A_331 : memref<!tpu.dma_semaphore, #tpu.memory_space<semaphore_mem>>) src(%dma_wait3A_347 : memref<512xi32, #tpu.memory_space<hbm>>) dst(%dma_wait3A_346 : memref<512xi32, #tpu.memory_space<vmem>>)
          tpu.yield
        }) : () -> ()
        %dma_start3A_307 = arith.constant 1 : i32
        %dma_start3A_308 = arith.constant 1 : i32
        %dma_start3A_309 = arith.constant 0 : i32
        %dma_start3A_310 = arith.constant 0 : i32
        %dma_start3A_311 = tpu.memref_slice %arg10[%dma_start3A_308, %dma_start3A_309, %dma_start3A_310] : memref<2x512x32xf32, #tpu.memory_space<vmem>> -> memref<1x512x32xf32, #tpu.memory_space<vmem>>
        %dma_start3A_312 = tpu.memref_squeeze %dma_start3A_311 : memref<1x512x32xf32, #tpu.memory_space<vmem>> -> memref<512x32xf32, #tpu.memory_space<vmem>>
        %dma_start3A_313 = arith.constant 0 : i32
        %dma_start3A_314 = tpu.memref_slice %arg8[%dma_start3A_307, %dma_start3A_313] : memref<2x512xi32, #tpu.memory_space<vmem>> -> memref<1x512xi32, #tpu.memory_space<vmem>>
        %dma_start3A_315 = tpu.memref_squeeze %dma_start3A_314 : memref<1x512xi32, #tpu.memory_space<vmem>> -> memref<512xi32, #tpu.memory_space<vmem>>
        %dma_start3A_316 = arith.constant 0 : i32
        %dma_start3A_317 = arith.constant 0 : i32
        %dma_start3A_318 = tpu.memref_slice %arg4[%dma_start3A_316, %dma_start3A_317] : memref<1000002x32xf32, #tpu.memory_space<hbm>> -> memref<1000002x32xf32, #tpu.memory_space<hbm>>
        tpu.enqueue_indirect_dma source(%dma_start3A_318 : memref<1000002x32xf32, #tpu.memory_space<hbm>>) target(%dma_start3A_312 : memref<512x32xf32, #tpu.memory_space<vmem>>) offsets(%dma_start3A_315 : memref<512xi32, #tpu.memory_space<vmem>>) semaphore(%arg15 : memref<!tpu.dma_semaphore, #tpu.memory_space<semaphore_mem>>)
        %dma_start3A_319 = arith.constant 1 : i32
        %dma_start3A_320 = arith.constant 1 : i32
        %dma_start3A_321 = arith.constant 0 : i32
        %dma_start3A_322 = arith.constant 0 : i32
        %dma_start3A_323 = tpu.memref_slice %arg11[%dma_start3A_320, %dma_start3A_321, %dma_start3A_322] : memref<2x512x32xf32, #tpu.memory_space<vmem>> -> memref<1x512x32xf32, #tpu.memory_space<vmem>>
        %dma_start3A_324 = tpu.memref_squeeze %dma_start3A_323 : memref<1x512x32xf32, #tpu.memory_space<vmem>> -> memref<512x32xf32, #tpu.memory_space<vmem>>
        %dma_start3A_325 = arith.constant 0 : i32
        %dma_start3A_326 = tpu.memref_slice %arg9[%dma_start3A_319, %dma_start3A_325] : memref<2x512xi32, #tpu.memory_space<vmem>> -> memref<1x512xi32, #tpu.memory_space<vmem>>
        %dma_start3A_327 = tpu.memref_squeeze %dma_start3A_326 : memref<1x512xi32, #tpu.memory_space<vmem>> -> memref<512xi32, #tpu.memory_space<vmem>>
        %dma_start3A_328 = arith.constant 0 : i32
        %dma_start3A_329 = arith.constant 0 : i32
        %dma_start3A_330 = tpu.memref_slice %arg5[%dma_start3A_328, %dma_start3A_329] : memref<1002x32xf32, #tpu.memory_space<hbm>> -> memref<1002x32xf32, #tpu.memory_space<hbm>>
        tpu.enqueue_indirect_dma source(%dma_start3A_330 : memref<1002x32xf32, #tpu.memory_space<hbm>>) target(%dma_start3A_324 : memref<512x32xf32, #tpu.memory_space<vmem>>) offsets(%dma_start3A_327 : memref<512xi32, #tpu.memory_space<vmem>>) semaphore(%arg15 : memref<!tpu.dma_semaphore, #tpu.memory_space<semaphore_mem>>)
      } else {
      }
      %dma_wait3A_80 = arith.constant 0 : i32
      %dma_wait3A_81 = arith.constant 0 : i32
      %dma_wait3A_82 = arith.constant 0 : i32
      %dma_wait3A_83 = arith.constant 0 : i32
      %dma_wait3A_84 = tpu.memref_slice %arg10[%dma_wait3A_81, %dma_wait3A_82, %dma_wait3A_83] : memref<2x512x32xf32, #tpu.memory_space<vmem>> -> memref<1x512x32xf32, #tpu.memory_space<vmem>>
      %dma_wait3A_85 = tpu.memref_squeeze %dma_wait3A_84 : memref<1x512x32xf32, #tpu.memory_space<vmem>> -> memref<512x32xf32, #tpu.memory_space<vmem>>
      %dma_wait3A_86 = arith.constant 0 : i32
      %dma_wait3A_87 = tpu.memref_slice %arg8[%dma_wait3A_80, %dma_wait3A_86] : memref<2x512xi32, #tpu.memory_space<vmem>> -> memref<1x512xi32, #tpu.memory_space<vmem>>
      %dma_wait3A_88 = tpu.memref_squeeze %dma_wait3A_87 : memref<1x512xi32, #tpu.memory_space<vmem>> -> memref<512xi32, #tpu.memory_space<vmem>>
      %dma_wait3A_89 = arith.constant 0 : i32
      %dma_wait3A_90 = arith.constant 0 : i32
      %dma_wait3A_91 = tpu.memref_slice %arg4[%dma_wait3A_89, %dma_wait3A_90] : memref<1000002x32xf32, #tpu.memory_space<hbm>> -> memref<1000002x32xf32, #tpu.memory_space<hbm>>
      tpu.wait_indirect_dma semaphore(%arg14 : memref<!tpu.dma_semaphore, #tpu.memory_space<semaphore_mem>>) src(%dma_wait3A_91 : memref<1000002x32xf32, #tpu.memory_space<hbm>>) dst(%dma_wait3A_85 : memref<512x32xf32, #tpu.memory_space<vmem>>)
      %dma_wait3A_92 = arith.constant 0 : i32
      %dma_wait3A_93 = arith.constant 0 : i32
      %dma_wait3A_94 = arith.constant 0 : i32
      %dma_wait3A_95 = arith.constant 0 : i32
      %dma_wait3A_96 = tpu.memref_slice %arg11[%dma_wait3A_93, %dma_wait3A_94, %dma_wait3A_95] : memref<2x512x32xf32, #tpu.memory_space<vmem>> -> memref<1x512x32xf32, #tpu.memory_space<vmem>>
      %dma_wait3A_97 = tpu.memref_squeeze %dma_wait3A_96 : memref<1x512x32xf32, #tpu.memory_space<vmem>> -> memref<512x32xf32, #tpu.memory_space<vmem>>
      %dma_wait3A_98 = arith.constant 0 : i32
      %dma_wait3A_99 = tpu.memref_slice %arg9[%dma_wait3A_92, %dma_wait3A_98] : memref<2x512xi32, #tpu.memory_space<vmem>> -> memref<1x512xi32, #tpu.memory_space<vmem>>
      %dma_wait3A_100 = tpu.memref_squeeze %dma_wait3A_99 : memref<1x512xi32, #tpu.memory_space<vmem>> -> memref<512xi32, #tpu.memory_space<vmem>>
      %dma_wait3A_101 = arith.constant 0 : i32
      %dma_wait3A_102 = arith.constant 0 : i32
      %dma_wait3A_103 = tpu.memref_slice %arg5[%dma_wait3A_101, %dma_wait3A_102] : memref<1002x32xf32, #tpu.memory_space<hbm>> -> memref<1002x32xf32, #tpu.memory_space<hbm>>
      tpu.wait_indirect_dma semaphore(%arg14 : memref<!tpu.dma_semaphore, #tpu.memory_space<semaphore_mem>>) src(%dma_wait3A_103 : memref<1002x32xf32, #tpu.memory_space<hbm>>) dst(%dma_wait3A_97 : memref<512x32xf32, #tpu.memory_space<vmem>>)
      %mul3A_104 = arith.constant 512 : i32
      %mul3A_105 = arith.muli %add3A_71, %mul3A_104 : i32
      %add3A_106 = arith.addi %mul3A_2, %mul3A_105 : i32
      %jit3A_107 = arith.constant 4096 : i32
      %div3A_108 = arith.divsi %add3A_106, %jit3A_107 : i32
      %sign3A_109 = arith.constant 0 : i32
      %sign3A_110 = arith.cmpi sgt, %add3A_106, %sign3A_109 : i32
      %sign3A_111 = arith.extui %sign3A_110 : i1 to i32
      %sign3A_112 = arith.constant 0 : i32
      %sign3A_113 = arith.cmpi slt, %add3A_106, %sign3A_112 : i32
      %sign3A_114 = arith.extui %sign3A_113 : i1 to i32
      %sign3A_115 = arith.subi %sign3A_111, %sign3A_114 : i32
      %sign3A_116 = arith.constant 0 : i32
      %sign3A_117 = arith.cmpi sgt, %jit3A_107, %sign3A_116 : i32
      %sign3A_118 = arith.extui %sign3A_117 : i1 to i32
      %sign3A_119 = arith.constant 0 : i32
      %sign3A_120 = arith.cmpi slt, %jit3A_107, %sign3A_119 : i32
      %sign3A_121 = arith.extui %sign3A_120 : i1 to i32
      %sign3A_122 = arith.subi %sign3A_118, %sign3A_121 : i32
      %ne3A_123 = arith.cmpi ne, %sign3A_115, %sign3A_122 : i32
      %rem3A_124 = arith.remsi %add3A_106, %jit3A_107 : i32
      %ne3A_125 = arith.constant 0 : i32
      %ne3A_126 = arith.cmpi ne, %rem3A_124, %ne3A_125 : i32
      %and3A_127 = arith.andi %ne3A_123, %ne3A_126 : i1
      %sub3A_128 = arith.constant 1 : i32
      %sub3A_129 = arith.subi %div3A_108, %sub3A_128 : i32
      %select_n3A_130 = arith.select %and3A_127, %sub3A_129, %div3A_108 : i32
      %get3A = arith.index_cast %select_n3A_130 : i32 to index
      %get3A_131 = arith.constant 0 : index
      %get3A_132 = tpu.vector_load %arg13[%get3A, %get3A_131] {strides = array<i32>} : memref<200x32xf32, #tpu.memory_space<vmem>>, vector<1x16xf32>,
      %get3A_133 = vector.shape_cast %get3A_132 : vector<1x16xf32> to vector<16xf32>
      %get3A_134 = arith.index_cast %select_n3A_130 : i32 to index
      %get3A_135 = arith.constant 16 : index
      %get3A_136 = tpu.vector_load %arg13[%get3A_134, %get3A_135] {strides = array<i32>} : memref<200x32xf32, #tpu.memory_space<vmem>>, vector<1x16xf32>,
      %get3A_137 = vector.shape_cast %get3A_136 : vector<1x16xf32> to vector<16xf32>
      %parallel_loop3A = arith.constant 0 : i32
      %parallel_loop3A_138 = arith.constant 128 : i32
      %parallel_loop3A_139 = arith.constant 1 : i32
      scf.for %parallel_loop3A_300 = %parallel_loop3A to %parallel_loop3A_138 step %parallel_loop3A_139  : i32 {
        %parallel_loop3A_301 = arith.constant 4 : i32
        %parallel_loop3A_302 = arith.muli %parallel_loop3A_300, %parallel_loop3A_301 : i32
        %parallel_loop3A_303 = arith.constant 0 : i32
        %parallel_loop3A_304 = arith.addi %parallel_loop3A_302, %parallel_loop3A_303 : i32
        %parallel_loop3A_305 = arith.constant 0 : i32
        %parallel_loop3A_306 = arith.index_cast %parallel_loop3A_305 : i32 to index
        %parallel_loop3A_307 = arith.index_cast %parallel_loop3A_304 : i32 to index
        %parallel_loop3A_308 = arith.constant 0 : index
        %parallel_loop3A_309 = tpu.vector_load %arg10[%parallel_loop3A_306, %parallel_loop3A_307, %parallel_loop3A_308] {strides = array<i32>} : memref<2x512x32xf32, #tpu.memory_space<vmem>>, vector<1x1x16xf32>,
        %parallel_loop3A_310 = vector.shape_cast %parallel_loop3A_309 : vector<1x1x16xf32> to vector<16xf32>
        %parallel_loop3A_311 = arith.constant 0 : i32
        %parallel_loop3A_312 = arith.addi %parallel_loop3A_302, %parallel_loop3A_311 : i32
        %parallel_loop3A_313 = arith.constant 0 : i32
        %parallel_loop3A_314 = arith.index_cast %parallel_loop3A_313 : i32 to index
        %parallel_loop3A_315 = arith.index_cast %parallel_loop3A_312 : i32 to index
        %parallel_loop3A_316 = arith.constant 0 : index
        %parallel_loop3A_317 = tpu.vector_load %arg11[%parallel_loop3A_314, %parallel_loop3A_315, %parallel_loop3A_316] {strides = array<i32>} : memref<2x512x32xf32, #tpu.memory_space<vmem>>, vector<1x1x16xf32>,
        %parallel_loop3A_318 = vector.shape_cast %parallel_loop3A_317 : vector<1x1x16xf32> to vector<16xf32>
        %parallel_loop3A_319 = arith.addf %parallel_loop3A_310, %parallel_loop3A_318 : vector<16xf32>
        %parallel_loop3A_320 = arith.addf %parallel_loop3A_319, %get3A_133 : vector<16xf32>
        %parallel_loop3A_321 = arith.constant 0 : i32
        %parallel_loop3A_322 = arith.index_cast %parallel_loop3A_321 : i32 to index
        %parallel_loop3A_323 = arith.index_cast %parallel_loop3A_300 : i32 to index
        %parallel_loop3A_324 = arith.constant 0 : index
        %parallel_loop3A_325 = tpu.vector_load %arg12[%parallel_loop3A_322, %parallel_loop3A_323, %parallel_loop3A_324] {strides = array<i32>} : memref<2x128x128xf32, #tpu.memory_space<vmem>>, vector<1x1x16xf32>,
        %parallel_loop3A_326 = vector.shape_cast %parallel_loop3A_325 : vector<1x1x16xf32> to vector<16xf32>
        %parallel_loop3A_327 = vector.shape_cast %parallel_loop3A_320 : vector<16xf32> to vector<1x1x16xf32>
        tpu.vector_store %arg12[%parallel_loop3A_322, %parallel_loop3A_323, %parallel_loop3A_324], %parallel_loop3A_327 {strides = array<i32>} : memref<2x128x128xf32, #tpu.memory_space<vmem>>, vector<1x1x16xf32>,
        %parallel_loop3A_328 = arith.constant 0 : i32
        %parallel_loop3A_329 = arith.addi %parallel_loop3A_302, %parallel_loop3A_328 : i32
        %parallel_loop3A_330 = arith.constant 0 : i32
        %parallel_loop3A_331 = arith.index_cast %parallel_loop3A_330 : i32 to index
        %parallel_loop3A_332 = arith.index_cast %parallel_loop3A_329 : i32 to index
        %parallel_loop3A_333 = arith.constant 16 : index
        %parallel_loop3A_334 = tpu.vector_load %arg10[%parallel_loop3A_331, %parallel_loop3A_332, %parallel_loop3A_333] {strides = array<i32>} : memref<2x512x32xf32, #tpu.memory_space<vmem>>, vector<1x1x16xf32>,
        %parallel_loop3A_335 = vector.shape_cast %parallel_loop3A_334 : vector<1x1x16xf32> to vector<16xf32>
        %parallel_loop3A_336 = arith.constant 0 : i32
        %parallel_loop3A_337 = arith.addi %parallel_loop3A_302, %parallel_loop3A_336 : i32
        %parallel_loop3A_338 = arith.constant 0 : i32
        %parallel_loop3A_339 = arith.index_cast %parallel_loop3A_338 : i32 to index
        %parallel_loop3A_340 = arith.index_cast %parallel_loop3A_337 : i32 to index
        %parallel_loop3A_341 = arith.constant 16 : index
        %parallel_loop3A_342 = tpu.vector_load %arg11[%parallel_loop3A_339, %parallel_loop3A_340, %parallel_loop3A_341] {strides = array<i32>} : memref<2x512x32xf32, #tpu.memory_space<vmem>>, vector<1x1x16xf32>,
        %parallel_loop3A_343 = vector.shape_cast %parallel_loop3A_342 : vector<1x1x16xf32> to vector<16xf32>
        %parallel_loop3A_344 = arith.addf %parallel_loop3A_335, %parallel_loop3A_343 : vector<16xf32>
        %parallel_loop3A_345 = arith.addf %parallel_loop3A_344, %get3A_137 : vector<16xf32>
        %parallel_loop3A_346 = arith.constant 0 : i32
        %parallel_loop3A_347 = arith.index_cast %parallel_loop3A_346 : i32 to index
        %parallel_loop3A_348 = arith.index_cast %parallel_loop3A_300 : i32 to index
        %parallel_loop3A_349 = arith.constant 16 : index
        %parallel_loop3A_350 = tpu.vector_load %arg12[%parallel_loop3A_347, %parallel_loop3A_348, %parallel_loop3A_349] {strides = array<i32>} : memref<2x128x128xf32, #tpu.memory_space<vmem>>, vector<1x1x16xf32>,
        %parallel_loop3A_351 = vector.shape_cast %parallel_loop3A_350 : vector<1x1x16xf32> to vector<16xf32>
        %parallel_loop3A_352 = vector.shape_cast %parallel_loop3A_345 : vector<16xf32> to vector<1x1x16xf32>
        tpu.vector_store %arg12[%parallel_loop3A_347, %parallel_loop3A_348, %parallel_loop3A_349], %parallel_loop3A_352 {strides = array<i32>} : memref<2x128x128xf32, #tpu.memory_space<vmem>>, vector<1x1x16xf32>,
        %parallel_loop3A_353 = arith.constant 1 : i32
        %parallel_loop3A_354 = arith.addi %parallel_loop3A_302, %parallel_loop3A_353 : i32
        %parallel_loop3A_355 = arith.constant 0 : i32
        %parallel_loop3A_356 = arith.index_cast %parallel_loop3A_355 : i32 to index
        %parallel_loop3A_357 = arith.index_cast %parallel_loop3A_354 : i32 to index
        %parallel_loop3A_358 = arith.constant 0 : index
        %parallel_loop3A_359 = tpu.vector_load %arg10[%parallel_loop3A_356, %parallel_loop3A_357, %parallel_loop3A_358] {strides = array<i32>} : memref<2x512x32xf32, #tpu.memory_space<vmem>>, vector<1x1x16xf32>,
        %parallel_loop3A_360 = vector.shape_cast %parallel_loop3A_359 : vector<1x1x16xf32> to vector<16xf32>
        %parallel_loop3A_361 = arith.constant 1 : i32
        %parallel_loop3A_362 = arith.addi %parallel_loop3A_302, %parallel_loop3A_361 : i32
        %parallel_loop3A_363 = arith.constant 0 : i32
        %parallel_loop3A_364 = arith.index_cast %parallel_loop3A_363 : i32 to index
        %parallel_loop3A_365 = arith.index_cast %parallel_loop3A_362 : i32 to index
        %parallel_loop3A_366 = arith.constant 0 : index
        %parallel_loop3A_367 = tpu.vector_load %arg11[%parallel_loop3A_364, %parallel_loop3A_365, %parallel_loop3A_366] {strides = array<i32>} : memref<2x512x32xf32, #tpu.memory_space<vmem>>, vector<1x1x16xf32>,
        %parallel_loop3A_368 = vector.shape_cast %parallel_loop3A_367 : vector<1x1x16xf32> to vector<16xf32>
        %parallel_loop3A_369 = arith.addf %parallel_loop3A_360, %parallel_loop3A_368 : vector<16xf32>
        %parallel_loop3A_370 = arith.addf %parallel_loop3A_369, %get3A_133 : vector<16xf32>
        %parallel_loop3A_371 = arith.constant 0 : i32
        %parallel_loop3A_372 = arith.index_cast %parallel_loop3A_371 : i32 to index
        %parallel_loop3A_373 = arith.index_cast %parallel_loop3A_300 : i32 to index
        %parallel_loop3A_374 = arith.constant 32 : index
        %parallel_loop3A_375 = tpu.vector_load %arg12[%parallel_loop3A_372, %parallel_loop3A_373, %parallel_loop3A_374] {strides = array<i32>} : memref<2x128x128xf32, #tpu.memory_space<vmem>>, vector<1x1x16xf32>,
        %parallel_loop3A_376 = vector.shape_cast %parallel_loop3A_375 : vector<1x1x16xf32> to vector<16xf32>
        %parallel_loop3A_377 = vector.shape_cast %parallel_loop3A_370 : vector<16xf32> to vector<1x1x16xf32>
        tpu.vector_store %arg12[%parallel_loop3A_372, %parallel_loop3A_373, %parallel_loop3A_374], %parallel_loop3A_377 {strides = array<i32>} : memref<2x128x128xf32, #tpu.memory_space<vmem>>, vector<1x1x16xf32>,
        %parallel_loop3A_378 = arith.constant 1 : i32
        %parallel_loop3A_379 = arith.addi %parallel_loop3A_302, %parallel_loop3A_378 : i32
        %parallel_loop3A_380 = arith.constant 0 : i32
        %parallel_loop3A_381 = arith.index_cast %parallel_loop3A_380 : i32 to index
        %parallel_loop3A_382 = arith.index_cast %parallel_loop3A_379 : i32 to index
        %parallel_loop3A_383 = arith.constant 16 : index
        %parallel_loop3A_384 = tpu.vector_load %arg10[%parallel_loop3A_381, %parallel_loop3A_382, %parallel_loop3A_383] {strides = array<i32>} : memref<2x512x32xf32, #tpu.memory_space<vmem>>, vector<1x1x16xf32>,
        %parallel_loop3A_385 = vector.shape_cast %parallel_loop3A_384 : vector<1x1x16xf32> to vector<16xf32>
        %parallel_loop3A_386 = arith.constant 1 : i32
        %parallel_loop3A_387 = arith.addi %parallel_loop3A_302, %parallel_loop3A_386 : i32
        %parallel_loop3A_388 = arith.constant 0 : i32
        %parallel_loop3A_389 = arith.index_cast %parallel_loop3A_388 : i32 to index
        %parallel_loop3A_390 = arith.index_cast %parallel_loop3A_387 : i32 to index
        %parallel_loop3A_391 = arith.constant 16 : index
        %parallel_loop3A_392 = tpu.vector_load %arg11[%parallel_loop3A_389, %parallel_loop3A_390, %parallel_loop3A_391] {strides = array<i32>} : memref<2x512x32xf32, #tpu.memory_space<vmem>>, vector<1x1x16xf32>,
        %parallel_loop3A_393 = vector.shape_cast %parallel_loop3A_392 : vector<1x1x16xf32> to vector<16xf32>
        %parallel_loop3A_394 = arith.addf %parallel_loop3A_385, %parallel_loop3A_393 : vector<16xf32>
        %parallel_loop3A_395 = arith.addf %parallel_loop3A_394, %get3A_137 : vector<16xf32>
        %parallel_loop3A_396 = arith.constant 0 : i32
        %parallel_loop3A_397 = arith.index_cast %parallel_loop3A_396 : i32 to index
        %parallel_loop3A_398 = arith.index_cast %parallel_loop3A_300 : i32 to index
        %parallel_loop3A_399 = arith.constant 48 : index
        %parallel_loop3A_400 = tpu.vector_load %arg12[%parallel_loop3A_397, %parallel_loop3A_398, %parallel_loop3A_399] {strides = array<i32>} : memref<2x128x128xf32, #tpu.memory_space<vmem>>, vector<1x1x16xf32>,
        %parallel_loop3A_401 = vector.shape_cast %parallel_loop3A_400 : vector<1x1x16xf32> to vector<16xf32>
        %parallel_loop3A_402 = vector.shape_cast %parallel_loop3A_395 : vector<16xf32> to vector<1x1x16xf32>
        tpu.vector_store %arg12[%parallel_loop3A_397, %parallel_loop3A_398, %parallel_loop3A_399], %parallel_loop3A_402 {strides = array<i32>} : memref<2x128x128xf32, #tpu.memory_space<vmem>>, vector<1x1x16xf32>,
        %parallel_loop3A_403 = arith.constant 2 : i32
        %parallel_loop3A_404 = arith.addi %parallel_loop3A_302, %parallel_loop3A_403 : i32
        %parallel_loop3A_405 = arith.constant 0 : i32
        %parallel_loop3A_406 = arith.index_cast %parallel_loop3A_405 : i32 to index
        %parallel_loop3A_407 = arith.index_cast %parallel_loop3A_404 : i32 to index
        %parallel_loop3A_408 = arith.constant 0 : index
        %parallel_loop3A_409 = tpu.vector_load %arg10[%parallel_loop3A_406, %parallel_loop3A_407, %parallel_loop3A_408] {strides = array<i32>} : memref<2x512x32xf32, #tpu.memory_space<vmem>>, vector<1x1x16xf32>,
        %parallel_loop3A_410 = vector.shape_cast %parallel_loop3A_409 : vector<1x1x16xf32> to vector<16xf32>
        %parallel_loop3A_411 = arith.constant 2 : i32
        %parallel_loop3A_412 = arith.addi %parallel_loop3A_302, %parallel_loop3A_411 : i32
        %parallel_loop3A_413 = arith.constant 0 : i32
        %parallel_loop3A_414 = arith.index_cast %parallel_loop3A_413 : i32 to index
        %parallel_loop3A_415 = arith.index_cast %parallel_loop3A_412 : i32 to index
        %parallel_loop3A_416 = arith.constant 0 : index
        %parallel_loop3A_417 = tpu.vector_load %arg11[%parallel_loop3A_414, %parallel_loop3A_415, %parallel_loop3A_416] {strides = array<i32>} : memref<2x512x32xf32, #tpu.memory_space<vmem>>, vector<1x1x16xf32>,
        %parallel_loop3A_418 = vector.shape_cast %parallel_loop3A_417 : vector<1x1x16xf32> to vector<16xf32>
        %parallel_loop3A_419 = arith.addf %parallel_loop3A_410, %parallel_loop3A_418 : vector<16xf32>
        %parallel_loop3A_420 = arith.addf %parallel_loop3A_419, %get3A_133 : vector<16xf32>
        %parallel_loop3A_421 = arith.constant 0 : i32
        %parallel_loop3A_422 = arith.index_cast %parallel_loop3A_421 : i32 to index
        %parallel_loop3A_423 = arith.index_cast %parallel_loop3A_300 : i32 to index
        %parallel_loop3A_424 = arith.constant 64 : index
        %parallel_loop3A_425 = tpu.vector_load %arg12[%parallel_loop3A_422, %parallel_loop3A_423, %parallel_loop3A_424] {strides = array<i32>} : memref<2x128x128xf32, #tpu.memory_space<vmem>>, vector<1x1x16xf32>,
        %parallel_loop3A_426 = vector.shape_cast %parallel_loop3A_425 : vector<1x1x16xf32> to vector<16xf32>
        %parallel_loop3A_427 = vector.shape_cast %parallel_loop3A_420 : vector<16xf32> to vector<1x1x16xf32>
        tpu.vector_store %arg12[%parallel_loop3A_422, %parallel_loop3A_423, %parallel_loop3A_424], %parallel_loop3A_427 {strides = array<i32>} : memref<2x128x128xf32, #tpu.memory_space<vmem>>, vector<1x1x16xf32>,
        %parallel_loop3A_428 = arith.constant 2 : i32
        %parallel_loop3A_429 = arith.addi %parallel_loop3A_302, %parallel_loop3A_428 : i32
        %parallel_loop3A_430 = arith.constant 0 : i32
        %parallel_loop3A_431 = arith.index_cast %parallel_loop3A_430 : i32 to index
        %parallel_loop3A_432 = arith.index_cast %parallel_loop3A_429 : i32 to index
        %parallel_loop3A_433 = arith.constant 16 : index
        %parallel_loop3A_434 = tpu.vector_load %arg10[%parallel_loop3A_431, %parallel_loop3A_432, %parallel_loop3A_433] {strides = array<i32>} : memref<2x512x32xf32, #tpu.memory_space<vmem>>, vector<1x1x16xf32>,
        %parallel_loop3A_435 = vector.shape_cast %parallel_loop3A_434 : vector<1x1x16xf32> to vector<16xf32>
        %parallel_loop3A_436 = arith.constant 2 : i32
        %parallel_loop3A_437 = arith.addi %parallel_loop3A_302, %parallel_loop3A_436 : i32
        %parallel_loop3A_438 = arith.constant 0 : i32
        %parallel_loop3A_439 = arith.index_cast %parallel_loop3A_438 : i32 to index
        %parallel_loop3A_440 = arith.index_cast %parallel_loop3A_437 : i32 to index
        %parallel_loop3A_441 = arith.constant 16 : index
        %parallel_loop3A_442 = tpu.vector_load %arg11[%parallel_loop3A_439, %parallel_loop3A_440, %parallel_loop3A_441] {strides = array<i32>} : memref<2x512x32xf32, #tpu.memory_space<vmem>>, vector<1x1x16xf32>,
        %parallel_loop3A_443 = vector.shape_cast %parallel_loop3A_442 : vector<1x1x16xf32> to vector<16xf32>
        %parallel_loop3A_444 = arith.addf %parallel_loop3A_435, %parallel_loop3A_443 : vector<16xf32>
        %parallel_loop3A_445 = arith.addf %parallel_loop3A_444, %get3A_137 : vector<16xf32>
        %parallel_loop3A_446 = arith.constant 0 : i32
        %parallel_loop3A_447 = arith.index_cast %parallel_loop3A_446 : i32 to index
        %parallel_loop3A_448 = arith.index_cast %parallel_loop3A_300 : i32 to index
        %parallel_loop3A_449 = arith.constant 80 : index
        %parallel_loop3A_450 = tpu.vector_load %arg12[%parallel_loop3A_447, %parallel_loop3A_448, %parallel_loop3A_449] {strides = array<i32>} : memref<2x128x128xf32, #tpu.memory_space<vmem>>, vector<1x1x16xf32>,
        %parallel_loop3A_451 = vector.shape_cast %parallel_loop3A_450 : vector<1x1x16xf32> to vector<16xf32>
        %parallel_loop3A_452 = vector.shape_cast %parallel_loop3A_445 : vector<16xf32> to vector<1x1x16xf32>
        tpu.vector_store %arg12[%parallel_loop3A_447, %parallel_loop3A_448, %parallel_loop3A_449], %parallel_loop3A_452 {strides = array<i32>} : memref<2x128x128xf32, #tpu.memory_space<vmem>>, vector<1x1x16xf32>,
        %parallel_loop3A_453 = arith.constant 3 : i32
        %parallel_loop3A_454 = arith.addi %parallel_loop3A_302, %parallel_loop3A_453 : i32
        %parallel_loop3A_455 = arith.constant 0 : i32
        %parallel_loop3A_456 = arith.index_cast %parallel_loop3A_455 : i32 to index
        %parallel_loop3A_457 = arith.index_cast %parallel_loop3A_454 : i32 to index
        %parallel_loop3A_458 = arith.constant 0 : index
        %parallel_loop3A_459 = tpu.vector_load %arg10[%parallel_loop3A_456, %parallel_loop3A_457, %parallel_loop3A_458] {strides = array<i32>} : memref<2x512x32xf32, #tpu.memory_space<vmem>>, vector<1x1x16xf32>,
        %parallel_loop3A_460 = vector.shape_cast %parallel_loop3A_459 : vector<1x1x16xf32> to vector<16xf32>
        %parallel_loop3A_461 = arith.constant 3 : i32
        %parallel_loop3A_462 = arith.addi %parallel_loop3A_302, %parallel_loop3A_461 : i32
        %parallel_loop3A_463 = arith.constant 0 : i32
        %parallel_loop3A_464 = arith.index_cast %parallel_loop3A_463 : i32 to index
        %parallel_loop3A_465 = arith.index_cast %parallel_loop3A_462 : i32 to index
        %parallel_loop3A_466 = arith.constant 0 : index
        %parallel_loop3A_467 = tpu.vector_load %arg11[%parallel_loop3A_464, %parallel_loop3A_465, %parallel_loop3A_466] {strides = array<i32>} : memref<2x512x32xf32, #tpu.memory_space<vmem>>, vector<1x1x16xf32>,
        %parallel_loop3A_468 = vector.shape_cast %parallel_loop3A_467 : vector<1x1x16xf32> to vector<16xf32>
        %parallel_loop3A_469 = arith.addf %parallel_loop3A_460, %parallel_loop3A_468 : vector<16xf32>
        %parallel_loop3A_470 = arith.addf %parallel_loop3A_469, %get3A_133 : vector<16xf32>
        %parallel_loop3A_471 = arith.constant 0 : i32
        %parallel_loop3A_472 = arith.index_cast %parallel_loop3A_471 : i32 to index
        %parallel_loop3A_473 = arith.index_cast %parallel_loop3A_300 : i32 to index
        %parallel_loop3A_474 = arith.constant 96 : index
        %parallel_loop3A_475 = tpu.vector_load %arg12[%parallel_loop3A_472, %parallel_loop3A_473, %parallel_loop3A_474] {strides = array<i32>} : memref<2x128x128xf32, #tpu.memory_space<vmem>>, vector<1x1x16xf32>,
        %parallel_loop3A_476 = vector.shape_cast %parallel_loop3A_475 : vector<1x1x16xf32> to vector<16xf32>
        %parallel_loop3A_477 = vector.shape_cast %parallel_loop3A_470 : vector<16xf32> to vector<1x1x16xf32>
        tpu.vector_store %arg12[%parallel_loop3A_472, %parallel_loop3A_473, %parallel_loop3A_474], %parallel_loop3A_477 {strides = array<i32>} : memref<2x128x128xf32, #tpu.memory_space<vmem>>, vector<1x1x16xf32>,
        %parallel_loop3A_478 = arith.constant 3 : i32
        %parallel_loop3A_479 = arith.addi %parallel_loop3A_302, %parallel_loop3A_478 : i32
        %parallel_loop3A_480 = arith.constant 0 : i32
        %parallel_loop3A_481 = arith.index_cast %parallel_loop3A_480 : i32 to index
        %parallel_loop3A_482 = arith.index_cast %parallel_loop3A_479 : i32 to index
        %parallel_loop3A_483 = arith.constant 16 : index
        %parallel_loop3A_484 = tpu.vector_load %arg10[%parallel_loop3A_481, %parallel_loop3A_482, %parallel_loop3A_483] {strides = array<i32>} : memref<2x512x32xf32, #tpu.memory_space<vmem>>, vector<1x1x16xf32>,
        %parallel_loop3A_485 = vector.shape_cast %parallel_loop3A_484 : vector<1x1x16xf32> to vector<16xf32>
        %parallel_loop3A_486 = arith.constant 3 : i32
        %parallel_loop3A_487 = arith.addi %parallel_loop3A_302, %parallel_loop3A_486 : i32
        %parallel_loop3A_488 = arith.constant 0 : i32
        %parallel_loop3A_489 = arith.index_cast %parallel_loop3A_488 : i32 to index
        %parallel_loop3A_490 = arith.index_cast %parallel_loop3A_487 : i32 to index
        %parallel_loop3A_491 = arith.constant 16 : index
        %parallel_loop3A_492 = tpu.vector_load %arg11[%parallel_loop3A_489, %parallel_loop3A_490, %parallel_loop3A_491] {strides = array<i32>} : memref<2x512x32xf32, #tpu.memory_space<vmem>>, vector<1x1x16xf32>,
        %parallel_loop3A_493 = vector.shape_cast %parallel_loop3A_492 : vector<1x1x16xf32> to vector<16xf32>
        %parallel_loop3A_494 = arith.addf %parallel_loop3A_485, %parallel_loop3A_493 : vector<16xf32>
        %parallel_loop3A_495 = arith.addf %parallel_loop3A_494, %get3A_137 : vector<16xf32>
        %parallel_loop3A_496 = arith.constant 0 : i32
        %parallel_loop3A_497 = arith.index_cast %parallel_loop3A_496 : i32 to index
        %parallel_loop3A_498 = arith.index_cast %parallel_loop3A_300 : i32 to index
        %parallel_loop3A_499 = arith.constant 112 : index
        %parallel_loop3A_500 = tpu.vector_load %arg12[%parallel_loop3A_497, %parallel_loop3A_498, %parallel_loop3A_499] {strides = array<i32>} : memref<2x128x128xf32, #tpu.memory_space<vmem>>, vector<1x1x16xf32>,
        %parallel_loop3A_501 = vector.shape_cast %parallel_loop3A_500 : vector<1x1x16xf32> to vector<16xf32>
        %parallel_loop3A_502 = vector.shape_cast %parallel_loop3A_495 : vector<16xf32> to vector<1x1x16xf32>
        tpu.vector_store %arg12[%parallel_loop3A_497, %parallel_loop3A_498, %parallel_loop3A_499], %parallel_loop3A_502 {strides = array<i32>} : memref<2x128x128xf32, #tpu.memory_space<vmem>>, vector<1x1x16xf32>,
      } {sc.loop_unroll_factor = 4 : i64, sc.parallel_access}
      %mul3A_140 = arith.constant 512 : i32
      %mul3A_141 = arith.muli %add3A_71, %mul3A_140 : i32
      %add3A_142 = arith.addi %mul3A_2, %mul3A_141 : i32
      %mul3A_143 = arith.constant 32 : i32
      %mul3A_144 = arith.muli %add3A_142, %mul3A_143 : i32
      %jit3A_145 = arith.constant 128 : i32
      %div3A_146 = arith.divsi %mul3A_144, %jit3A_145 : i32
      %sign3A_147 = arith.constant 0 : i32
      %sign3A_148 = arith.cmpi sgt, %mul3A_144, %sign3A_147 : i32
      %sign3A_149 = arith.extui %sign3A_148 : i1 to i32
      %sign3A_150 = arith.constant 0 : i32
      %sign3A_151 = arith.cmpi slt, %mul3A_144, %sign3A_150 : i32
      %sign3A_152 = arith.extui %sign3A_151 : i1 to i32
      %sign3A_153 = arith.subi %sign3A_149, %sign3A_152 : i32
      %sign3A_154 = arith.constant 0 : i32
      %sign3A_155 = arith.cmpi sgt, %jit3A_145, %sign3A_154 : i32
      %sign3A_156 = arith.extui %sign3A_155 : i1 to i32
      %sign3A_157 = arith.constant 0 : i32
      %sign3A_158 = arith.cmpi slt, %jit3A_145, %sign3A_157 : i32
      %sign3A_159 = arith.extui %sign3A_158 : i1 to i32
      %sign3A_160 = arith.subi %sign3A_156, %sign3A_159 : i32
      %ne3A_161 = arith.cmpi ne, %sign3A_153, %sign3A_160 : i32
      %rem3A_162 = arith.remsi %mul3A_144, %jit3A_145 : i32
      %ne3A_163 = arith.constant 0 : i32
      %ne3A_164 = arith.cmpi ne, %rem3A_162, %ne3A_163 : i32
      %and3A_165 = arith.andi %ne3A_161, %ne3A_164 : i1
      %sub3A_166 = arith.constant 1 : i32
      %sub3A_167 = arith.subi %div3A_146, %sub3A_166 : i32
      %select_n3A_168 = arith.select %and3A_165, %sub3A_167, %div3A_146 : i32
      %dma_start3A_169 = arith.constant 0 : i32
      %dma_start3A_170 = arith.constant 0 : i32
      %dma_start3A_171 = arith.constant 0 : i32
      %dma_start3A_172 = tpu.memref_slice %arg12[%dma_start3A_169, %dma_start3A_170, %dma_start3A_171] : memref<2x128x128xf32, #tpu.memory_space<vmem>> -> memref<1x128x128xf32, #tpu.memory_space<vmem>>
      %dma_start3A_173 = tpu.memref_squeeze %dma_start3A_172 : memref<1x128x128xf32, #tpu.memory_space<vmem>> -> memref<128x128xf32, #tpu.memory_space<vmem>>
      %dma_start3A_174 = arith.constant 0 : i32
      %dma_start3A_175 = tpu.memref_slice %arg7[%select_n3A_168, %dma_start3A_174] : memref<204800x128xf32, #tpu.memory_space<hbm>> -> memref<128x128xf32, #tpu.memory_space<hbm>>
      %dma_start3A_176 = arith.constant 0 : i32
      %dma_start3A_177 = tpu.memref_slice %arg7[%select_n3A_168, %dma_start3A_176] : memref<204800x128xf32, #tpu.memory_space<hbm>> -> memref<128x128xf32, #tpu.memory_space<hbm>>
      %dma_start3A_178 = arith.constant 0 : i32
      %dma_start3A_179 = arith.constant 0 : i32
      %dma_start3A_180 = tpu.memref_slice %arg12[%dma_start3A_169, %dma_start3A_178, %dma_start3A_179] : memref<2x128x128xf32, #tpu.memory_space<vmem>> -> memref<1x128x128xf32, #tpu.memory_space<vmem>>
      %dma_start3A_181 = tpu.memref_squeeze %dma_start3A_180 : memref<1x128x128xf32, #tpu.memory_space<vmem>> -> memref<128x128xf32, #tpu.memory_space<vmem>>
      tpu.enqueue_dma source(%dma_start3A_181 : memref<128x128xf32, #tpu.memory_space<vmem>>) target(%dma_start3A_177 : memref<128x128xf32, #tpu.memory_space<hbm>>) target_semaphore(%arg16 : memref<!tpu.dma_semaphore, #tpu.memory_space<semaphore_mem>>)
      %add3A_182 = arith.constant 1 : i32
      %add3A_183 = arith.addi %add3A_69, %add3A_182 : i32
      %ge3A_184 = arith.constant 1 : i32
      %ge3A_185 = arith.cmpi sge, %add3A_183, %ge3A_184 : i32
      %convert_element_type3A_186 = arith.extui %ge3A_185 : i1 to i32
      %cond3A_187 = arith.constant 0 : i32
      %cond3A_188 = arith.cmpi ne, %convert_element_type3A_186, %cond3A_187 : i32
      scf.if %cond3A_188 {
        %sub3A_300 = arith.constant 1 : i32
        %sub3A_301 = arith.subi %add3A_183, %sub3A_300 : i32
        %mul3A_302 = arith.constant 512 : i32
        %mul3A_303 = arith.muli %sub3A_301, %mul3A_302 : i32
        %add3A_304 = arith.addi %mul3A_2, %mul3A_303 : i32
        %mul3A_305 = arith.constant 32 : i32
        %mul3A_306 = arith.muli %add3A_304, %mul3A_305 : i32
        %jit3A_307 = arith.constant 128 : i32
        %div3A_308 = arith.divsi %mul3A_306, %jit3A_307 : i32
        %sign3A_309 = arith.constant 0 : i32
        %sign3A_310 = arith.cmpi sgt, %mul3A_306, %sign3A_309 : i32
        %sign3A_311 = arith.extui %sign3A_310 : i1 to i32
        %sign3A_312 = arith.constant 0 : i32
        %sign3A_313 = arith.cmpi slt, %mul3A_306, %sign3A_312 : i32
        %sign3A_314 = arith.extui %sign3A_313 : i1 to i32
        %sign3A_315 = arith.subi %sign3A_311, %sign3A_314 : i32
        %sign3A_316 = arith.constant 0 : i32
        %sign3A_317 = arith.cmpi sgt, %jit3A_307, %sign3A_316 : i32
        %sign3A_318 = arith.extui %sign3A_317 : i1 to i32
        %sign3A_319 = arith.constant 0 : i32
        %sign3A_320 = arith.cmpi slt, %jit3A_307, %sign3A_319 : i32
        %sign3A_321 = arith.extui %sign3A_320 : i1 to i32
        %sign3A_322 = arith.subi %sign3A_318, %sign3A_321 : i32
        %ne3A_323 = arith.cmpi ne, %sign3A_315, %sign3A_322 : i32
        %rem3A_324 = arith.remsi %mul3A_306, %jit3A_307 : i32
        %ne3A_325 = arith.constant 0 : i32
        %ne3A_326 = arith.cmpi ne, %rem3A_324, %ne3A_325 : i32
        %and3A_327 = arith.andi %ne3A_323, %ne3A_326 : i1
        %sub3A_328 = arith.constant 1 : i32
        %sub3A_329 = arith.subi %div3A_308, %sub3A_328 : i32
        %select_n3A_330 = arith.select %and3A_327, %sub3A_329, %div3A_308 : i32
        %dma_wait3A_331 = arith.constant 0 : i32
        %dma_wait3A_332 = arith.constant 0 : i32
        %dma_wait3A_333 = arith.constant 0 : i32
        %dma_wait3A_334 = tpu.memref_slice %arg12[%dma_wait3A_331, %dma_wait3A_332, %dma_wait3A_333] : memref<2x128x128xf32, #tpu.memory_space<vmem>> -> memref<1x128x128xf32, #tpu.memory_space<vmem>>
        %dma_wait3A_335 = tpu.memref_squeeze %dma_wait3A_334 : memref<1x128x128xf32, #tpu.memory_space<vmem>> -> memref<128x128xf32, #tpu.memory_space<vmem>>
        %dma_wait3A_336 = arith.constant 0 : i32
        %dma_wait3A_337 = tpu.memref_slice %arg7[%select_n3A_330, %dma_wait3A_336] : memref<204800x128xf32, #tpu.memory_space<hbm>> -> memref<128x128xf32, #tpu.memory_space<hbm>>
        %dma_wait3A_338 = arith.constant 0 : i32
        %dma_wait3A_339 = tpu.memref_slice %arg7[%select_n3A_330, %dma_wait3A_338] : memref<204800x128xf32, #tpu.memory_space<hbm>> -> memref<128x128xf32, #tpu.memory_space<hbm>>
        %dma_wait3A_340 = arith.constant 0 : i32
        %dma_wait3A_341 = arith.constant 0 : i32
        %dma_wait3A_342 = tpu.memref_slice %arg12[%dma_wait3A_331, %dma_wait3A_340, %dma_wait3A_341] : memref<2x128x128xf32, #tpu.memory_space<vmem>> -> memref<1x128x128xf32, #tpu.memory_space<vmem>>
        %dma_wait3A_343 = tpu.memref_squeeze %dma_wait3A_342 : memref<1x128x128xf32, #tpu.memory_space<vmem>> -> memref<128x128xf32, #tpu.memory_space<vmem>>
        tpu.wait_dma2 semaphore(%arg16 : memref<!tpu.dma_semaphore, #tpu.memory_space<semaphore_mem>>) src(%dma_wait3A_343 : memref<128x128xf32, #tpu.memory_space<vmem>>) dst(%dma_wait3A_339 : memref<128x128xf32, #tpu.memory_space<hbm>>)
      } else {
      }
      %add3A_189 = arith.constant 1 : i32
      %add3A_190 = arith.addi %add3A_183, %add3A_189 : i32
      %lt3A_191 = arith.constant 50 : i32
      %lt3A_192 = arith.cmpi slt, %add3A_190, %lt3A_191 : i32
      %convert_element_type3A_193 = arith.extui %lt3A_192 : i1 to i32
      %cond3A_194 = arith.constant 0 : i32
      %cond3A_195 = arith.cmpi ne, %convert_element_type3A_193, %cond3A_194 : i32
      scf.if %cond3A_195 {
        %add3A_300 = arith.constant 1 : i32
        %add3A_301 = arith.addi %add3A_183, %add3A_300 : i32
        %mul3A_302 = arith.constant 512 : i32
        %mul3A_303 = arith.muli %add3A_301, %mul3A_302 : i32
        %add3A_304 = arith.addi %mul3A_2, %mul3A_303 : i32
        %run_scoped3A_305 = arith.constant 0 : i32
        "tpu.region"() ({
          %run_scoped3A_331 = tpu.sem_alloc : memref<!tpu.dma_semaphore, #tpu.memory_space<semaphore_mem>>
          %dma_start3A_332 = arith.constant 0 : i32
          %dma_start3A_333 = tpu.memref_slice %arg8[%run_scoped3A_305, %dma_start3A_332] : memref<2x512xi32, #tpu.memory_space<vmem>> -> memref<1x512xi32, #tpu.memory_space<vmem>>
          %dma_start3A_334 = tpu.memref_squeeze %dma_start3A_333 : memref<1x512xi32, #tpu.memory_space<vmem>> -> memref<512xi32, #tpu.memory_space<vmem>>
          %dma_start3A_335 = tpu.memref_slice %arg2[%add3A_304] : memref<819200xi32, #tpu.memory_space<hbm>> -> memref<512xi32, #tpu.memory_space<hbm>>
          %dma_start3A_336 = arith.constant 0 : i32
          %dma_start3A_337 = tpu.memref_slice %arg8[%run_scoped3A_305, %dma_start3A_336] : memref<2x512xi32, #tpu.memory_space<vmem>> -> memref<1x512xi32, #tpu.memory_space<vmem>>
          %dma_start3A_338 = tpu.memref_squeeze %dma_start3A_337 : memref<1x512xi32, #tpu.memory_space<vmem>> -> memref<512xi32, #tpu.memory_space<vmem>>
          %dma_start3A_339 = tpu.memref_slice %arg2[%add3A_304] : memref<819200xi32, #tpu.memory_space<hbm>> -> memref<512xi32, #tpu.memory_space<hbm>>
          tpu.enqueue_dma source(%dma_start3A_339 : memref<512xi32, #tpu.memory_space<hbm>>) target(%dma_start3A_338 : memref<512xi32, #tpu.memory_space<vmem>>) target_semaphore(%run_scoped3A_331 : memref<!tpu.dma_semaphore, #tpu.memory_space<semaphore_mem>>)
          %dma_wait3A_340 = arith.constant 0 : i32
          %dma_wait3A_341 = tpu.memref_slice %arg8[%run_scoped3A_305, %dma_wait3A_340] : memref<2x512xi32, #tpu.memory_space<vmem>> -> memref<1x512xi32, #tpu.memory_space<vmem>>
          %dma_wait3A_342 = tpu.memref_squeeze %dma_wait3A_341 : memref<1x512xi32, #tpu.memory_space<vmem>> -> memref<512xi32, #tpu.memory_space<vmem>>
          %dma_wait3A_343 = tpu.memref_slice %arg2[%add3A_304] : memref<819200xi32, #tpu.memory_space<hbm>> -> memref<512xi32, #tpu.memory_space<hbm>>
          %dma_wait3A_344 = arith.constant 0 : i32
          %dma_wait3A_345 = tpu.memref_slice %arg8[%run_scoped3A_305, %dma_wait3A_344] : memref<2x512xi32, #tpu.memory_space<vmem>> -> memref<1x512xi32, #tpu.memory_space<vmem>>
          %dma_wait3A_346 = tpu.memref_squeeze %dma_wait3A_345 : memref<1x512xi32, #tpu.memory_space<vmem>> -> memref<512xi32, #tpu.memory_space<vmem>>
          %dma_wait3A_347 = tpu.memref_slice %arg2[%add3A_304] : memref<819200xi32, #tpu.memory_space<hbm>> -> memref<512xi32, #tpu.memory_space<hbm>>
          tpu.wait_dma2 semaphore(%run_scoped3A_331 : memref<!tpu.dma_semaphore, #tpu.memory_space<semaphore_mem>>) src(%dma_wait3A_347 : memref<512xi32, #tpu.memory_space<hbm>>) dst(%dma_wait3A_346 : memref<512xi32, #tpu.memory_space<vmem>>)
          tpu.yield
        }) : () -> ()
        %run_scoped3A_306 = arith.constant 0 : i32
        "tpu.region"() ({
          %run_scoped3A_331 = tpu.sem_alloc : memref<!tpu.dma_semaphore, #tpu.memory_space<semaphore_mem>>
          %dma_start3A_332 = arith.constant 0 : i32
          %dma_start3A_333 = tpu.memref_slice %arg9[%run_scoped3A_306, %dma_start3A_332] : memref<2x512xi32, #tpu.memory_space<vmem>> -> memref<1x512xi32, #tpu.memory_space<vmem>>
          %dma_start3A_334 = tpu.memref_squeeze %dma_start3A_333 : memref<1x512xi32, #tpu.memory_space<vmem>> -> memref<512xi32, #tpu.memory_space<vmem>>
          %dma_start3A_335 = tpu.memref_slice %arg3[%add3A_304] : memref<819200xi32, #tpu.memory_space<hbm>> -> memref<512xi32, #tpu.memory_space<hbm>>
          %dma_start3A_336 = arith.constant 0 : i32
          %dma_start3A_337 = tpu.memref_slice %arg9[%run_scoped3A_306, %dma_start3A_336] : memref<2x512xi32, #tpu.memory_space<vmem>> -> memref<1x512xi32, #tpu.memory_space<vmem>>
          %dma_start3A_338 = tpu.memref_squeeze %dma_start3A_337 : memref<1x512xi32, #tpu.memory_space<vmem>> -> memref<512xi32, #tpu.memory_space<vmem>>
          %dma_start3A_339 = tpu.memref_slice %arg3[%add3A_304] : memref<819200xi32, #tpu.memory_space<hbm>> -> memref<512xi32, #tpu.memory_space<hbm>>
          tpu.enqueue_dma source(%dma_start3A_339 : memref<512xi32, #tpu.memory_space<hbm>>) target(%dma_start3A_338 : memref<512xi32, #tpu.memory_space<vmem>>) target_semaphore(%run_scoped3A_331 : memref<!tpu.dma_semaphore, #tpu.memory_space<semaphore_mem>>)
          %dma_wait3A_340 = arith.constant 0 : i32
          %dma_wait3A_341 = tpu.memref_slice %arg9[%run_scoped3A_306, %dma_wait3A_340] : memref<2x512xi32, #tpu.memory_space<vmem>> -> memref<1x512xi32, #tpu.memory_space<vmem>>
          %dma_wait3A_342 = tpu.memref_squeeze %dma_wait3A_341 : memref<1x512xi32, #tpu.memory_space<vmem>> -> memref<512xi32, #tpu.memory_space<vmem>>
          %dma_wait3A_343 = tpu.memref_slice %arg3[%add3A_304] : memref<819200xi32, #tpu.memory_space<hbm>> -> memref<512xi32, #tpu.memory_space<hbm>>
          %dma_wait3A_344 = arith.constant 0 : i32
          %dma_wait3A_345 = tpu.memref_slice %arg9[%run_scoped3A_306, %dma_wait3A_344] : memref<2x512xi32, #tpu.memory_space<vmem>> -> memref<1x512xi32, #tpu.memory_space<vmem>>
          %dma_wait3A_346 = tpu.memref_squeeze %dma_wait3A_345 : memref<1x512xi32, #tpu.memory_space<vmem>> -> memref<512xi32, #tpu.memory_space<vmem>>
          %dma_wait3A_347 = tpu.memref_slice %arg3[%add3A_304] : memref<819200xi32, #tpu.memory_space<hbm>> -> memref<512xi32, #tpu.memory_space<hbm>>
          tpu.wait_dma2 semaphore(%run_scoped3A_331 : memref<!tpu.dma_semaphore, #tpu.memory_space<semaphore_mem>>) src(%dma_wait3A_347 : memref<512xi32, #tpu.memory_space<hbm>>) dst(%dma_wait3A_346 : memref<512xi32, #tpu.memory_space<vmem>>)
          tpu.yield
        }) : () -> ()
        %dma_start3A_307 = arith.constant 0 : i32
        %dma_start3A_308 = arith.constant 0 : i32
        %dma_start3A_309 = arith.constant 0 : i32
        %dma_start3A_310 = arith.constant 0 : i32
        %dma_start3A_311 = tpu.memref_slice %arg10[%dma_start3A_308, %dma_start3A_309, %dma_start3A_310] : memref<2x512x32xf32, #tpu.memory_space<vmem>> -> memref<1x512x32xf32, #tpu.memory_space<vmem>>
        %dma_start3A_312 = tpu.memref_squeeze %dma_start3A_311 : memref<1x512x32xf32, #tpu.memory_space<vmem>> -> memref<512x32xf32, #tpu.memory_space<vmem>>
        %dma_start3A_313 = arith.constant 0 : i32
        %dma_start3A_314 = tpu.memref_slice %arg8[%dma_start3A_307, %dma_start3A_313] : memref<2x512xi32, #tpu.memory_space<vmem>> -> memref<1x512xi32, #tpu.memory_space<vmem>>
        %dma_start3A_315 = tpu.memref_squeeze %dma_start3A_314 : memref<1x512xi32, #tpu.memory_space<vmem>> -> memref<512xi32, #tpu.memory_space<vmem>>
        %dma_start3A_316 = arith.constant 0 : i32
        %dma_start3A_317 = arith.constant 0 : i32
        %dma_start3A_318 = tpu.memref_slice %arg4[%dma_start3A_316, %dma_start3A_317] : memref<1000002x32xf32, #tpu.memory_space<hbm>> -> memref<1000002x32xf32, #tpu.memory_space<hbm>>
        tpu.enqueue_indirect_dma source(%dma_start3A_318 : memref<1000002x32xf32, #tpu.memory_space<hbm>>) target(%dma_start3A_312 : memref<512x32xf32, #tpu.memory_space<vmem>>) offsets(%dma_start3A_315 : memref<512xi32, #tpu.memory_space<vmem>>) semaphore(%arg14 : memref<!tpu.dma_semaphore, #tpu.memory_space<semaphore_mem>>)
        %dma_start3A_319 = arith.constant 0 : i32
        %dma_start3A_320 = arith.constant 0 : i32
        %dma_start3A_321 = arith.constant 0 : i32
        %dma_start3A_322 = arith.constant 0 : i32
        %dma_start3A_323 = tpu.memref_slice %arg11[%dma_start3A_320, %dma_start3A_321, %dma_start3A_322] : memref<2x512x32xf32, #tpu.memory_space<vmem>> -> memref<1x512x32xf32, #tpu.memory_space<vmem>>
        %dma_start3A_324 = tpu.memref_squeeze %dma_start3A_323 : memref<1x512x32xf32, #tpu.memory_space<vmem>> -> memref<512x32xf32, #tpu.memory_space<vmem>>
        %dma_start3A_325 = arith.constant 0 : i32
        %dma_start3A_326 = tpu.memref_slice %arg9[%dma_start3A_319, %dma_start3A_325] : memref<2x512xi32, #tpu.memory_space<vmem>> -> memref<1x512xi32, #tpu.memory_space<vmem>>
        %dma_start3A_327 = tpu.memref_squeeze %dma_start3A_326 : memref<1x512xi32, #tpu.memory_space<vmem>> -> memref<512xi32, #tpu.memory_space<vmem>>
        %dma_start3A_328 = arith.constant 0 : i32
        %dma_start3A_329 = arith.constant 0 : i32
        %dma_start3A_330 = tpu.memref_slice %arg5[%dma_start3A_328, %dma_start3A_329] : memref<1002x32xf32, #tpu.memory_space<hbm>> -> memref<1002x32xf32, #tpu.memory_space<hbm>>
        tpu.enqueue_indirect_dma source(%dma_start3A_330 : memref<1002x32xf32, #tpu.memory_space<hbm>>) target(%dma_start3A_324 : memref<512x32xf32, #tpu.memory_space<vmem>>) offsets(%dma_start3A_327 : memref<512xi32, #tpu.memory_space<vmem>>) semaphore(%arg14 : memref<!tpu.dma_semaphore, #tpu.memory_space<semaphore_mem>>)
      } else {
      }
      %dma_wait3A_196 = arith.constant 1 : i32
      %dma_wait3A_197 = arith.constant 1 : i32
      %dma_wait3A_198 = arith.constant 0 : i32
      %dma_wait3A_199 = arith.constant 0 : i32
      %dma_wait3A_200 = tpu.memref_slice %arg10[%dma_wait3A_197, %dma_wait3A_198, %dma_wait3A_199] : memref<2x512x32xf32, #tpu.memory_space<vmem>> -> memref<1x512x32xf32, #tpu.memory_space<vmem>>
      %dma_wait3A_201 = tpu.memref_squeeze %dma_wait3A_200 : memref<1x512x32xf32, #tpu.memory_space<vmem>> -> memref<512x32xf32, #tpu.memory_space<vmem>>
      %dma_wait3A_202 = arith.constant 0 : i32
      %dma_wait3A_203 = tpu.memref_slice %arg8[%dma_wait3A_196, %dma_wait3A_202] : memref<2x512xi32, #tpu.memory_space<vmem>> -> memref<1x512xi32, #tpu.memory_space<vmem>>
      %dma_wait3A_204 = tpu.memref_squeeze %dma_wait3A_203 : memref<1x512xi32, #tpu.memory_space<vmem>> -> memref<512xi32, #tpu.memory_space<vmem>>
      %dma_wait3A_205 = arith.constant 0 : i32
      %dma_wait3A_206 = arith.constant 0 : i32
      %dma_wait3A_207 = tpu.memref_slice %arg4[%dma_wait3A_205, %dma_wait3A_206] : memref<1000002x32xf32, #tpu.memory_space<hbm>> -> memref<1000002x32xf32, #tpu.memory_space<hbm>>
      tpu.wait_indirect_dma semaphore(%arg15 : memref<!tpu.dma_semaphore, #tpu.memory_space<semaphore_mem>>) src(%dma_wait3A_207 : memref<1000002x32xf32, #tpu.memory_space<hbm>>) dst(%dma_wait3A_201 : memref<512x32xf32, #tpu.memory_space<vmem>>)
      %dma_wait3A_208 = arith.constant 1 : i32
      %dma_wait3A_209 = arith.constant 1 : i32
      %dma_wait3A_210 = arith.constant 0 : i32
      %dma_wait3A_211 = arith.constant 0 : i32
      %dma_wait3A_212 = tpu.memref_slice %arg11[%dma_wait3A_209, %dma_wait3A_210, %dma_wait3A_211] : memref<2x512x32xf32, #tpu.memory_space<vmem>> -> memref<1x512x32xf32, #tpu.memory_space<vmem>>
      %dma_wait3A_213 = tpu.memref_squeeze %dma_wait3A_212 : memref<1x512x32xf32, #tpu.memory_space<vmem>> -> memref<512x32xf32, #tpu.memory_space<vmem>>
      %dma_wait3A_214 = arith.constant 0 : i32
      %dma_wait3A_215 = tpu.memref_slice %arg9[%dma_wait3A_208, %dma_wait3A_214] : memref<2x512xi32, #tpu.memory_space<vmem>> -> memref<1x512xi32, #tpu.memory_space<vmem>>
      %dma_wait3A_216 = tpu.memref_squeeze %dma_wait3A_215 : memref<1x512xi32, #tpu.memory_space<vmem>> -> memref<512xi32, #tpu.memory_space<vmem>>
      %dma_wait3A_217 = arith.constant 0 : i32
      %dma_wait3A_218 = arith.constant 0 : i32
      %dma_wait3A_219 = tpu.memref_slice %arg5[%dma_wait3A_217, %dma_wait3A_218] : memref<1002x32xf32, #tpu.memory_space<hbm>> -> memref<1002x32xf32, #tpu.memory_space<hbm>>
      tpu.wait_indirect_dma semaphore(%arg15 : memref<!tpu.dma_semaphore, #tpu.memory_space<semaphore_mem>>) src(%dma_wait3A_219 : memref<1002x32xf32, #tpu.memory_space<hbm>>) dst(%dma_wait3A_213 : memref<512x32xf32, #tpu.memory_space<vmem>>)
      %mul3A_220 = arith.constant 512 : i32
      %mul3A_221 = arith.muli %add3A_183, %mul3A_220 : i32
      %add3A_222 = arith.addi %mul3A_2, %mul3A_221 : i32
      %jit3A_223 = arith.constant 4096 : i32
      %div3A_224 = arith.divsi %add3A_222, %jit3A_223 : i32
      %sign3A_225 = arith.constant 0 : i32
      %sign3A_226 = arith.cmpi sgt, %add3A_222, %sign3A_225 : i32
      %sign3A_227 = arith.extui %sign3A_226 : i1 to i32
      %sign3A_228 = arith.constant 0 : i32
      %sign3A_229 = arith.cmpi slt, %add3A_222, %sign3A_228 : i32
      %sign3A_230 = arith.extui %sign3A_229 : i1 to i32
      %sign3A_231 = arith.subi %sign3A_227, %sign3A_230 : i32
      %sign3A_232 = arith.constant 0 : i32
      %sign3A_233 = arith.cmpi sgt, %jit3A_223, %sign3A_232 : i32
      %sign3A_234 = arith.extui %sign3A_233 : i1 to i32
      %sign3A_235 = arith.constant 0 : i32
      %sign3A_236 = arith.cmpi slt, %jit3A_223, %sign3A_235 : i32
      %sign3A_237 = arith.extui %sign3A_236 : i1 to i32
      %sign3A_238 = arith.subi %sign3A_234, %sign3A_237 : i32
      %ne3A_239 = arith.cmpi ne, %sign3A_231, %sign3A_238 : i32
      %rem3A_240 = arith.remsi %add3A_222, %jit3A_223 : i32
      %ne3A_241 = arith.constant 0 : i32
      %ne3A_242 = arith.cmpi ne, %rem3A_240, %ne3A_241 : i32
      %and3A_243 = arith.andi %ne3A_239, %ne3A_242 : i1
      %sub3A_244 = arith.constant 1 : i32
      %sub3A_245 = arith.subi %div3A_224, %sub3A_244 : i32
      %select_n3A_246 = arith.select %and3A_243, %sub3A_245, %div3A_224 : i32
      %get3A_247 = arith.index_cast %select_n3A_246 : i32 to index
      %get3A_248 = arith.constant 0 : index
      %get3A_249 = tpu.vector_load %arg13[%get3A_247, %get3A_248] {strides = array<i32>} : memref<200x32xf32, #tpu.memory_space<vmem>>, vector<1x16xf32>,
      %get3A_250 = vector.shape_cast %get3A_249 : vector<1x16xf32> to vector<16xf32>
      %get3A_251 = arith.index_cast %select_n3A_246 : i32 to index
      %get3A_252 = arith.constant 16 : index
      %get3A_253 = tpu.vector_load %arg13[%get3A_251, %get3A_252] {strides = array<i32>} : memref<200x32xf32, #tpu.memory_space<vmem>>, vector<1x16xf32>,
      %get3A_254 = vector.shape_cast %get3A_253 : vector<1x16xf32> to vector<16xf32>
      %parallel_loop3A_255 = arith.constant 0 : i32
      %parallel_loop3A_256 = arith.constant 128 : i32
      %parallel_loop3A_257 = arith.constant 1 : i32
      scf.for %parallel_loop3A_300 = %parallel_loop3A_255 to %parallel_loop3A_256 step %parallel_loop3A_257  : i32 {
        %parallel_loop3A_301 = arith.constant 4 : i32
        %parallel_loop3A_302 = arith.muli %parallel_loop3A_300, %parallel_loop3A_301 : i32
        %parallel_loop3A_303 = arith.constant 0 : i32
        %parallel_loop3A_304 = arith.addi %parallel_loop3A_302, %parallel_loop3A_303 : i32
        %parallel_loop3A_305 = arith.constant 1 : i32
        %parallel_loop3A_306 = arith.index_cast %parallel_loop3A_305 : i32 to index
        %parallel_loop3A_307 = arith.index_cast %parallel_loop3A_304 : i32 to index
        %parallel_loop3A_308 = arith.constant 0 : index
        %parallel_loop3A_309 = tpu.vector_load %arg10[%parallel_loop3A_306, %parallel_loop3A_307, %parallel_loop3A_308] {strides = array<i32>} : memref<2x512x32xf32, #tpu.memory_space<vmem>>, vector<1x1x16xf32>,
        %parallel_loop3A_310 = vector.shape_cast %parallel_loop3A_309 : vector<1x1x16xf32> to vector<16xf32>
        %parallel_loop3A_311 = arith.constant 0 : i32
        %parallel_loop3A_312 = arith.addi %parallel_loop3A_302, %parallel_loop3A_311 : i32
        %parallel_loop3A_313 = arith.constant 1 : i32
        %parallel_loop3A_314 = arith.index_cast %parallel_loop3A_313 : i32 to index
        %parallel_loop3A_315 = arith.index_cast %parallel_loop3A_312 : i32 to index
        %parallel_loop3A_316 = arith.constant 0 : index
        %parallel_loop3A_317 = tpu.vector_load %arg11[%parallel_loop3A_314, %parallel_loop3A_315, %parallel_loop3A_316] {strides = array<i32>} : memref<2x512x32xf32, #tpu.memory_space<vmem>>, vector<1x1x16xf32>,
        %parallel_loop3A_318 = vector.shape_cast %parallel_loop3A_317 : vector<1x1x16xf32> to vector<16xf32>
        %parallel_loop3A_319 = arith.addf %parallel_loop3A_310, %parallel_loop3A_318 : vector<16xf32>
        %parallel_loop3A_320 = arith.addf %parallel_loop3A_319, %get3A_250 : vector<16xf32>
        %parallel_loop3A_321 = arith.constant 1 : i32
        %parallel_loop3A_322 = arith.index_cast %parallel_loop3A_321 : i32 to index
        %parallel_loop3A_323 = arith.index_cast %parallel_loop3A_300 : i32 to index
        %parallel_loop3A_324 = arith.constant 0 : index
        %parallel_loop3A_325 = tpu.vector_load %arg12[%parallel_loop3A_322, %parallel_loop3A_323, %parallel_loop3A_324] {strides = array<i32>} : memref<2x128x128xf32, #tpu.memory_space<vmem>>, vector<1x1x16xf32>,
        %parallel_loop3A_326 = vector.shape_cast %parallel_loop3A_325 : vector<1x1x16xf32> to vector<16xf32>
        %parallel_loop3A_327 = vector.shape_cast %parallel_loop3A_320 : vector<16xf32> to vector<1x1x16xf32>
        tpu.vector_store %arg12[%parallel_loop3A_322, %parallel_loop3A_323, %parallel_loop3A_324], %parallel_loop3A_327 {strides = array<i32>} : memref<2x128x128xf32, #tpu.memory_space<vmem>>, vector<1x1x16xf32>,
        %parallel_loop3A_328 = arith.constant 0 : i32
        %parallel_loop3A_329 = arith.addi %parallel_loop3A_302, %parallel_loop3A_328 : i32
        %parallel_loop3A_330 = arith.constant 1 : i32
        %parallel_loop3A_331 = arith.index_cast %parallel_loop3A_330 : i32 to index
        %parallel_loop3A_332 = arith.index_cast %parallel_loop3A_329 : i32 to index
        %parallel_loop3A_333 = arith.constant 16 : index
        %parallel_loop3A_334 = tpu.vector_load %arg10[%parallel_loop3A_331, %parallel_loop3A_332, %parallel_loop3A_333] {strides = array<i32>} : memref<2x512x32xf32, #tpu.memory_space<vmem>>, vector<1x1x16xf32>,
        %parallel_loop3A_335 = vector.shape_cast %parallel_loop3A_334 : vector<1x1x16xf32> to vector<16xf32>
        %parallel_loop3A_336 = arith.constant 0 : i32
        %parallel_loop3A_337 = arith.addi %parallel_loop3A_302, %parallel_loop3A_336 : i32
        %parallel_loop3A_338 = arith.constant 1 : i32
        %parallel_loop3A_339 = arith.index_cast %parallel_loop3A_338 : i32 to index
        %parallel_loop3A_340 = arith.index_cast %parallel_loop3A_337 : i32 to index
        %parallel_loop3A_341 = arith.constant 16 : index
        %parallel_loop3A_342 = tpu.vector_load %arg11[%parallel_loop3A_339, %parallel_loop3A_340, %parallel_loop3A_341] {strides = array<i32>} : memref<2x512x32xf32, #tpu.memory_space<vmem>>, vector<1x1x16xf32>,
        %parallel_loop3A_343 = vector.shape_cast %parallel_loop3A_342 : vector<1x1x16xf32> to vector<16xf32>
        %parallel_loop3A_344 = arith.addf %parallel_loop3A_335, %parallel_loop3A_343 : vector<16xf32>
        %parallel_loop3A_345 = arith.addf %parallel_loop3A_344, %get3A_254 : vector<16xf32>
        %parallel_loop3A_346 = arith.constant 1 : i32
        %parallel_loop3A_347 = arith.index_cast %parallel_loop3A_346 : i32 to index
        %parallel_loop3A_348 = arith.index_cast %parallel_loop3A_300 : i32 to index
        %parallel_loop3A_349 = arith.constant 16 : index
        %parallel_loop3A_350 = tpu.vector_load %arg12[%parallel_loop3A_347, %parallel_loop3A_348, %parallel_loop3A_349] {strides = array<i32>} : memref<2x128x128xf32, #tpu.memory_space<vmem>>, vector<1x1x16xf32>,
        %parallel_loop3A_351 = vector.shape_cast %parallel_loop3A_350 : vector<1x1x16xf32> to vector<16xf32>
        %parallel_loop3A_352 = vector.shape_cast %parallel_loop3A_345 : vector<16xf32> to vector<1x1x16xf32>
        tpu.vector_store %arg12[%parallel_loop3A_347, %parallel_loop3A_348, %parallel_loop3A_349], %parallel_loop3A_352 {strides = array<i32>} : memref<2x128x128xf32, #tpu.memory_space<vmem>>, vector<1x1x16xf32>,
        %parallel_loop3A_353 = arith.constant 1 : i32
        %parallel_loop3A_354 = arith.addi %parallel_loop3A_302, %parallel_loop3A_353 : i32
        %parallel_loop3A_355 = arith.constant 1 : i32
        %parallel_loop3A_356 = arith.index_cast %parallel_loop3A_355 : i32 to index
        %parallel_loop3A_357 = arith.index_cast %parallel_loop3A_354 : i32 to index
        %parallel_loop3A_358 = arith.constant 0 : index
        %parallel_loop3A_359 = tpu.vector_load %arg10[%parallel_loop3A_356, %parallel_loop3A_357, %parallel_loop3A_358] {strides = array<i32>} : memref<2x512x32xf32, #tpu.memory_space<vmem>>, vector<1x1x16xf32>,
        %parallel_loop3A_360 = vector.shape_cast %parallel_loop3A_359 : vector<1x1x16xf32> to vector<16xf32>
        %parallel_loop3A_361 = arith.constant 1 : i32
        %parallel_loop3A_362 = arith.addi %parallel_loop3A_302, %parallel_loop3A_361 : i32
        %parallel_loop3A_363 = arith.constant 1 : i32
        %parallel_loop3A_364 = arith.index_cast %parallel_loop3A_363 : i32 to index
        %parallel_loop3A_365 = arith.index_cast %parallel_loop3A_362 : i32 to index
        %parallel_loop3A_366 = arith.constant 0 : index
        %parallel_loop3A_367 = tpu.vector_load %arg11[%parallel_loop3A_364, %parallel_loop3A_365, %parallel_loop3A_366] {strides = array<i32>} : memref<2x512x32xf32, #tpu.memory_space<vmem>>, vector<1x1x16xf32>,
        %parallel_loop3A_368 = vector.shape_cast %parallel_loop3A_367 : vector<1x1x16xf32> to vector<16xf32>
        %parallel_loop3A_369 = arith.addf %parallel_loop3A_360, %parallel_loop3A_368 : vector<16xf32>
        %parallel_loop3A_370 = arith.addf %parallel_loop3A_369, %get3A_250 : vector<16xf32>
        %parallel_loop3A_371 = arith.constant 1 : i32
        %parallel_loop3A_372 = arith.index_cast %parallel_loop3A_371 : i32 to index
        %parallel_loop3A_373 = arith.index_cast %parallel_loop3A_300 : i32 to index
        %parallel_loop3A_374 = arith.constant 32 : index
        %parallel_loop3A_375 = tpu.vector_load %arg12[%parallel_loop3A_372, %parallel_loop3A_373, %parallel_loop3A_374] {strides = array<i32>} : memref<2x128x128xf32, #tpu.memory_space<vmem>>, vector<1x1x16xf32>,
        %parallel_loop3A_376 = vector.shape_cast %parallel_loop3A_375 : vector<1x1x16xf32> to vector<16xf32>
        %parallel_loop3A_377 = vector.shape_cast %parallel_loop3A_370 : vector<16xf32> to vector<1x1x16xf32>
        tpu.vector_store %arg12[%parallel_loop3A_372, %parallel_loop3A_373, %parallel_loop3A_374], %parallel_loop3A_377 {strides = array<i32>} : memref<2x128x128xf32, #tpu.memory_space<vmem>>, vector<1x1x16xf32>,
        %parallel_loop3A_378 = arith.constant 1 : i32
        %parallel_loop3A_379 = arith.addi %parallel_loop3A_302, %parallel_loop3A_378 : i32
        %parallel_loop3A_380 = arith.constant 1 : i32
        %parallel_loop3A_381 = arith.index_cast %parallel_loop3A_380 : i32 to index
        %parallel_loop3A_382 = arith.index_cast %parallel_loop3A_379 : i32 to index
        %parallel_loop3A_383 = arith.constant 16 : index
        %parallel_loop3A_384 = tpu.vector_load %arg10[%parallel_loop3A_381, %parallel_loop3A_382, %parallel_loop3A_383] {strides = array<i32>} : memref<2x512x32xf32, #tpu.memory_space<vmem>>, vector<1x1x16xf32>,
        %parallel_loop3A_385 = vector.shape_cast %parallel_loop3A_384 : vector<1x1x16xf32> to vector<16xf32>
        %parallel_loop3A_386 = arith.constant 1 : i32
        %parallel_loop3A_387 = arith.addi %parallel_loop3A_302, %parallel_loop3A_386 : i32
        %parallel_loop3A_388 = arith.constant 1 : i32
        %parallel_loop3A_389 = arith.index_cast %parallel_loop3A_388 : i32 to index
        %parallel_loop3A_390 = arith.index_cast %parallel_loop3A_387 : i32 to index
        %parallel_loop3A_391 = arith.constant 16 : index
        %parallel_loop3A_392 = tpu.vector_load %arg11[%parallel_loop3A_389, %parallel_loop3A_390, %parallel_loop3A_391] {strides = array<i32>} : memref<2x512x32xf32, #tpu.memory_space<vmem>>, vector<1x1x16xf32>,
        %parallel_loop3A_393 = vector.shape_cast %parallel_loop3A_392 : vector<1x1x16xf32> to vector<16xf32>
        %parallel_loop3A_394 = arith.addf %parallel_loop3A_385, %parallel_loop3A_393 : vector<16xf32>
        %parallel_loop3A_395 = arith.addf %parallel_loop3A_394, %get3A_254 : vector<16xf32>
        %parallel_loop3A_396 = arith.constant 1 : i32
        %parallel_loop3A_397 = arith.index_cast %parallel_loop3A_396 : i32 to index
        %parallel_loop3A_398 = arith.index_cast %parallel_loop3A_300 : i32 to index
        %parallel_loop3A_399 = arith.constant 48 : index
        %parallel_loop3A_400 = tpu.vector_load %arg12[%parallel_loop3A_397, %parallel_loop3A_398, %parallel_loop3A_399] {strides = array<i32>} : memref<2x128x128xf32, #tpu.memory_space<vmem>>, vector<1x1x16xf32>,
        %parallel_loop3A_401 = vector.shape_cast %parallel_loop3A_400 : vector<1x1x16xf32> to vector<16xf32>
        %parallel_loop3A_402 = vector.shape_cast %parallel_loop3A_395 : vector<16xf32> to vector<1x1x16xf32>
        tpu.vector_store %arg12[%parallel_loop3A_397, %parallel_loop3A_398, %parallel_loop3A_399], %parallel_loop3A_402 {strides = array<i32>} : memref<2x128x128xf32, #tpu.memory_space<vmem>>, vector<1x1x16xf32>,
        %parallel_loop3A_403 = arith.constant 2 : i32
        %parallel_loop3A_404 = arith.addi %parallel_loop3A_302, %parallel_loop3A_403 : i32
        %parallel_loop3A_405 = arith.constant 1 : i32
        %parallel_loop3A_406 = arith.index_cast %parallel_loop3A_405 : i32 to index
        %parallel_loop3A_407 = arith.index_cast %parallel_loop3A_404 : i32 to index
        %parallel_loop3A_408 = arith.constant 0 : index
        %parallel_loop3A_409 = tpu.vector_load %arg10[%parallel_loop3A_406, %parallel_loop3A_407, %parallel_loop3A_408] {strides = array<i32>} : memref<2x512x32xf32, #tpu.memory_space<vmem>>, vector<1x1x16xf32>,
        %parallel_loop3A_410 = vector.shape_cast %parallel_loop3A_409 : vector<1x1x16xf32> to vector<16xf32>
        %parallel_loop3A_411 = arith.constant 2 : i32
        %parallel_loop3A_412 = arith.addi %parallel_loop3A_302, %parallel_loop3A_411 : i32
        %parallel_loop3A_413 = arith.constant 1 : i32
        %parallel_loop3A_414 = arith.index_cast %parallel_loop3A_413 : i32 to index
        %parallel_loop3A_415 = arith.index_cast %parallel_loop3A_412 : i32 to index
        %parallel_loop3A_416 = arith.constant 0 : index
        %parallel_loop3A_417 = tpu.vector_load %arg11[%parallel_loop3A_414, %parallel_loop3A_415, %parallel_loop3A_416] {strides = array<i32>} : memref<2x512x32xf32, #tpu.memory_space<vmem>>, vector<1x1x16xf32>,
        %parallel_loop3A_418 = vector.shape_cast %parallel_loop3A_417 : vector<1x1x16xf32> to vector<16xf32>
        %parallel_loop3A_419 = arith.addf %parallel_loop3A_410, %parallel_loop3A_418 : vector<16xf32>
        %parallel_loop3A_420 = arith.addf %parallel_loop3A_419, %get3A_250 : vector<16xf32>
        %parallel_loop3A_421 = arith.constant 1 : i32
        %parallel_loop3A_422 = arith.index_cast %parallel_loop3A_421 : i32 to index
        %parallel_loop3A_423 = arith.index_cast %parallel_loop3A_300 : i32 to index
        %parallel_loop3A_424 = arith.constant 64 : index
        %parallel_loop3A_425 = tpu.vector_load %arg12[%parallel_loop3A_422, %parallel_loop3A_423, %parallel_loop3A_424] {strides = array<i32>} : memref<2x128x128xf32, #tpu.memory_space<vmem>>, vector<1x1x16xf32>,
        %parallel_loop3A_426 = vector.shape_cast %parallel_loop3A_425 : vector<1x1x16xf32> to vector<16xf32>
        %parallel_loop3A_427 = vector.shape_cast %parallel_loop3A_420 : vector<16xf32> to vector<1x1x16xf32>
        tpu.vector_store %arg12[%parallel_loop3A_422, %parallel_loop3A_423, %parallel_loop3A_424], %parallel_loop3A_427 {strides = array<i32>} : memref<2x128x128xf32, #tpu.memory_space<vmem>>, vector<1x1x16xf32>,
        %parallel_loop3A_428 = arith.constant 2 : i32
        %parallel_loop3A_429 = arith.addi %parallel_loop3A_302, %parallel_loop3A_428 : i32
        %parallel_loop3A_430 = arith.constant 1 : i32
        %parallel_loop3A_431 = arith.index_cast %parallel_loop3A_430 : i32 to index
        %parallel_loop3A_432 = arith.index_cast %parallel_loop3A_429 : i32 to index
        %parallel_loop3A_433 = arith.constant 16 : index
        %parallel_loop3A_434 = tpu.vector_load %arg10[%parallel_loop3A_431, %parallel_loop3A_432, %parallel_loop3A_433] {strides = array<i32>} : memref<2x512x32xf32, #tpu.memory_space<vmem>>, vector<1x1x16xf32>,
        %parallel_loop3A_435 = vector.shape_cast %parallel_loop3A_434 : vector<1x1x16xf32> to vector<16xf32>
        %parallel_loop3A_436 = arith.constant 2 : i32
        %parallel_loop3A_437 = arith.addi %parallel_loop3A_302, %parallel_loop3A_436 : i32
        %parallel_loop3A_438 = arith.constant 1 : i32
        %parallel_loop3A_439 = arith.index_cast %parallel_loop3A_438 : i32 to index
        %parallel_loop3A_440 = arith.index_cast %parallel_loop3A_437 : i32 to index
        %parallel_loop3A_441 = arith.constant 16 : index
        %parallel_loop3A_442 = tpu.vector_load %arg11[%parallel_loop3A_439, %parallel_loop3A_440, %parallel_loop3A_441] {strides = array<i32>} : memref<2x512x32xf32, #tpu.memory_space<vmem>>, vector<1x1x16xf32>,
        %parallel_loop3A_443 = vector.shape_cast %parallel_loop3A_442 : vector<1x1x16xf32> to vector<16xf32>
        %parallel_loop3A_444 = arith.addf %parallel_loop3A_435, %parallel_loop3A_443 : vector<16xf32>
        %parallel_loop3A_445 = arith.addf %parallel_loop3A_444, %get3A_254 : vector<16xf32>
        %parallel_loop3A_446 = arith.constant 1 : i32
        %parallel_loop3A_447 = arith.index_cast %parallel_loop3A_446 : i32 to index
        %parallel_loop3A_448 = arith.index_cast %parallel_loop3A_300 : i32 to index
        %parallel_loop3A_449 = arith.constant 80 : index
        %parallel_loop3A_450 = tpu.vector_load %arg12[%parallel_loop3A_447, %parallel_loop3A_448, %parallel_loop3A_449] {strides = array<i32>} : memref<2x128x128xf32, #tpu.memory_space<vmem>>, vector<1x1x16xf32>,
        %parallel_loop3A_451 = vector.shape_cast %parallel_loop3A_450 : vector<1x1x16xf32> to vector<16xf32>
        %parallel_loop3A_452 = vector.shape_cast %parallel_loop3A_445 : vector<16xf32> to vector<1x1x16xf32>
        tpu.vector_store %arg12[%parallel_loop3A_447, %parallel_loop3A_448, %parallel_loop3A_449], %parallel_loop3A_452 {strides = array<i32>} : memref<2x128x128xf32, #tpu.memory_space<vmem>>, vector<1x1x16xf32>,
        %parallel_loop3A_453 = arith.constant 3 : i32
        %parallel_loop3A_454 = arith.addi %parallel_loop3A_302, %parallel_loop3A_453 : i32
        %parallel_loop3A_455 = arith.constant 1 : i32
        %parallel_loop3A_456 = arith.index_cast %parallel_loop3A_455 : i32 to index
        %parallel_loop3A_457 = arith.index_cast %parallel_loop3A_454 : i32 to index
        %parallel_loop3A_458 = arith.constant 0 : index
        %parallel_loop3A_459 = tpu.vector_load %arg10[%parallel_loop3A_456, %parallel_loop3A_457, %parallel_loop3A_458] {strides = array<i32>} : memref<2x512x32xf32, #tpu.memory_space<vmem>>, vector<1x1x16xf32>,
        %parallel_loop3A_460 = vector.shape_cast %parallel_loop3A_459 : vector<1x1x16xf32> to vector<16xf32>
        %parallel_loop3A_461 = arith.constant 3 : i32
        %parallel_loop3A_462 = arith.addi %parallel_loop3A_302, %parallel_loop3A_461 : i32
        %parallel_loop3A_463 = arith.constant 1 : i32
        %parallel_loop3A_464 = arith.index_cast %parallel_loop3A_463 : i32 to index
        %parallel_loop3A_465 = arith.index_cast %parallel_loop3A_462 : i32 to index
        %parallel_loop3A_466 = arith.constant 0 : index
        %parallel_loop3A_467 = tpu.vector_load %arg11[%parallel_loop3A_464, %parallel_loop3A_465, %parallel_loop3A_466] {strides = array<i32>} : memref<2x512x32xf32, #tpu.memory_space<vmem>>, vector<1x1x16xf32>,
        %parallel_loop3A_468 = vector.shape_cast %parallel_loop3A_467 : vector<1x1x16xf32> to vector<16xf32>
        %parallel_loop3A_469 = arith.addf %parallel_loop3A_460, %parallel_loop3A_468 : vector<16xf32>
        %parallel_loop3A_470 = arith.addf %parallel_loop3A_469, %get3A_250 : vector<16xf32>
        %parallel_loop3A_471 = arith.constant 1 : i32
        %parallel_loop3A_472 = arith.index_cast %parallel_loop3A_471 : i32 to index
        %parallel_loop3A_473 = arith.index_cast %parallel_loop3A_300 : i32 to index
        %parallel_loop3A_474 = arith.constant 96 : index
        %parallel_loop3A_475 = tpu.vector_load %arg12[%parallel_loop3A_472, %parallel_loop3A_473, %parallel_loop3A_474] {strides = array<i32>} : memref<2x128x128xf32, #tpu.memory_space<vmem>>, vector<1x1x16xf32>,
        %parallel_loop3A_476 = vector.shape_cast %parallel_loop3A_475 : vector<1x1x16xf32> to vector<16xf32>
        %parallel_loop3A_477 = vector.shape_cast %parallel_loop3A_470 : vector<16xf32> to vector<1x1x16xf32>
        tpu.vector_store %arg12[%parallel_loop3A_472, %parallel_loop3A_473, %parallel_loop3A_474], %parallel_loop3A_477 {strides = array<i32>} : memref<2x128x128xf32, #tpu.memory_space<vmem>>, vector<1x1x16xf32>,
        %parallel_loop3A_478 = arith.constant 3 : i32
        %parallel_loop3A_479 = arith.addi %parallel_loop3A_302, %parallel_loop3A_478 : i32
        %parallel_loop3A_480 = arith.constant 1 : i32
        %parallel_loop3A_481 = arith.index_cast %parallel_loop3A_480 : i32 to index
        %parallel_loop3A_482 = arith.index_cast %parallel_loop3A_479 : i32 to index
        %parallel_loop3A_483 = arith.constant 16 : index
        %parallel_loop3A_484 = tpu.vector_load %arg10[%parallel_loop3A_481, %parallel_loop3A_482, %parallel_loop3A_483] {strides = array<i32>} : memref<2x512x32xf32, #tpu.memory_space<vmem>>, vector<1x1x16xf32>,
        %parallel_loop3A_485 = vector.shape_cast %parallel_loop3A_484 : vector<1x1x16xf32> to vector<16xf32>
        %parallel_loop3A_486 = arith.constant 3 : i32
        %parallel_loop3A_487 = arith.addi %parallel_loop3A_302, %parallel_loop3A_486 : i32
        %parallel_loop3A_488 = arith.constant 1 : i32
        %parallel_loop3A_489 = arith.index_cast %parallel_loop3A_488 : i32 to index
        %parallel_loop3A_490 = arith.index_cast %parallel_loop3A_487 : i32 to index
        %parallel_loop3A_491 = arith.constant 16 : index
        %parallel_loop3A_492 = tpu.vector_load %arg11[%parallel_loop3A_489, %parallel_loop3A_490, %parallel_loop3A_491] {strides = array<i32>} : memref<2x512x32xf32, #tpu.memory_space<vmem>>, vector<1x1x16xf32>,
        %parallel_loop3A_493 = vector.shape_cast %parallel_loop3A_492 : vector<1x1x16xf32> to vector<16xf32>
        %parallel_loop3A_494 = arith.addf %parallel_loop3A_485, %parallel_loop3A_493 : vector<16xf32>
        %parallel_loop3A_495 = arith.addf %parallel_loop3A_494, %get3A_254 : vector<16xf32>
        %parallel_loop3A_496 = arith.constant 1 : i32
        %parallel_loop3A_497 = arith.index_cast %parallel_loop3A_496 : i32 to index
        %parallel_loop3A_498 = arith.index_cast %parallel_loop3A_300 : i32 to index
        %parallel_loop3A_499 = arith.constant 112 : index
        %parallel_loop3A_500 = tpu.vector_load %arg12[%parallel_loop3A_497, %parallel_loop3A_498, %parallel_loop3A_499] {strides = array<i32>} : memref<2x128x128xf32, #tpu.memory_space<vmem>>, vector<1x1x16xf32>,
        %parallel_loop3A_501 = vector.shape_cast %parallel_loop3A_500 : vector<1x1x16xf32> to vector<16xf32>
        %parallel_loop3A_502 = vector.shape_cast %parallel_loop3A_495 : vector<16xf32> to vector<1x1x16xf32>
        tpu.vector_store %arg12[%parallel_loop3A_497, %parallel_loop3A_498, %parallel_loop3A_499], %parallel_loop3A_502 {strides = array<i32>} : memref<2x128x128xf32, #tpu.memory_space<vmem>>, vector<1x1x16xf32>,
      } {sc.loop_unroll_factor = 4 : i64, sc.parallel_access}
      %mul3A_258 = arith.constant 512 : i32
      %mul3A_259 = arith.muli %add3A_183, %mul3A_258 : i32
      %add3A_260 = arith.addi %mul3A_2, %mul3A_259 : i32
      %mul3A_261 = arith.constant 32 : i32
      %mul3A_262 = arith.muli %add3A_260, %mul3A_261 : i32
      %jit3A_263 = arith.constant 128 : i32
      %div3A_264 = arith.divsi %mul3A_262, %jit3A_263 : i32
      %sign3A_265 = arith.constant 0 : i32
      %sign3A_266 = arith.cmpi sgt, %mul3A_262, %sign3A_265 : i32
      %sign3A_267 = arith.extui %sign3A_266 : i1 to i32
      %sign3A_268 = arith.constant 0 : i32
      %sign3A_269 = arith.cmpi slt, %mul3A_262, %sign3A_268 : i32
      %sign3A_270 = arith.extui %sign3A_269 : i1 to i32
      %sign3A_271 = arith.subi %sign3A_267, %sign3A_270 : i32
      %sign3A_272 = arith.constant 0 : i32
      %sign3A_273 = arith.cmpi sgt, %jit3A_263, %sign3A_272 : i32
      %sign3A_274 = arith.extui %sign3A_273 : i1 to i32
      %sign3A_275 = arith.constant 0 : i32
      %sign3A_276 = arith.cmpi slt, %jit3A_263, %sign3A_275 : i32
      %sign3A_277 = arith.extui %sign3A_276 : i1 to i32
      %sign3A_278 = arith.subi %sign3A_274, %sign3A_277 : i32
      %ne3A_279 = arith.cmpi ne, %sign3A_271, %sign3A_278 : i32
      %rem3A_280 = arith.remsi %mul3A_262, %jit3A_263 : i32
      %ne3A_281 = arith.constant 0 : i32
      %ne3A_282 = arith.cmpi ne, %rem3A_280, %ne3A_281 : i32
      %and3A_283 = arith.andi %ne3A_279, %ne3A_282 : i1
      %sub3A_284 = arith.constant 1 : i32
      %sub3A_285 = arith.subi %div3A_264, %sub3A_284 : i32
      %select_n3A_286 = arith.select %and3A_283, %sub3A_285, %div3A_264 : i32
      %dma_start3A_287 = arith.constant 1 : i32
      %dma_start3A_288 = arith.constant 0 : i32
      %dma_start3A_289 = arith.constant 0 : i32
      %dma_start3A_290 = tpu.memref_slice %arg12[%dma_start3A_287, %dma_start3A_288, %dma_start3A_289] : memref<2x128x128xf32, #tpu.memory_space<vmem>> -> memref<1x128x128xf32, #tpu.memory_space<vmem>>
      %dma_start3A_291 = tpu.memref_squeeze %dma_start3A_290 : memref<1x128x128xf32, #tpu.memory_space<vmem>> -> memref<128x128xf32, #tpu.memory_space<vmem>>
      %dma_start3A_292 = arith.constant 0 : i32
      %dma_start3A_293 = tpu.memref_slice %arg7[%select_n3A_286, %dma_start3A_292] : memref<204800x128xf32, #tpu.memory_space<hbm>> -> memref<128x128xf32, #tpu.memory_space<hbm>>
      %dma_start3A_294 = arith.constant 0 : i32
      %dma_start3A_295 = tpu.memref_slice %arg7[%select_n3A_286, %dma_start3A_294] : memref<204800x128xf32, #tpu.memory_space<hbm>> -> memref<128x128xf32, #tpu.memory_space<hbm>>
      %dma_start3A_296 = arith.constant 0 : i32
      %dma_start3A_297 = arith.constant 0 : i32
      %dma_start3A_298 = tpu.memref_slice %arg12[%dma_start3A_287, %dma_start3A_296, %dma_start3A_297] : memref<2x128x128xf32, #tpu.memory_space<vmem>> -> memref<1x128x128xf32, #tpu.memory_space<vmem>>
      %dma_start3A_299 = tpu.memref_squeeze %dma_start3A_298 : memref<1x128x128xf32, #tpu.memory_space<vmem>> -> memref<128x128xf32, #tpu.memory_space<vmem>>
      tpu.enqueue_dma source(%dma_start3A_299 : memref<128x128xf32, #tpu.memory_space<vmem>>) target(%dma_start3A_295 : memref<128x128xf32, #tpu.memory_space<hbm>>) target_semaphore(%arg17 : memref<!tpu.dma_semaphore, #tpu.memory_space<semaphore_mem>>)
    }
    %scan3A_32 = arith.constant 25 : i32
    %add3A_33 = arith.constant 25088 : i32
    %add3A_34 = arith.addi %mul3A_2, %add3A_33 : i32
    %mul3A_35 = arith.constant 32 : i32
    %mul3A_36 = arith.muli %add3A_34, %mul3A_35 : i32
    %jit3A = arith.constant 128 : i32
    %div3A = arith.divsi %mul3A_36, %jit3A : i32
    %sign3A = arith.constant 0 : i32
    %sign3A_37 = arith.cmpi sgt, %mul3A_36, %sign3A : i32
    %sign3A_38 = arith.extui %sign3A_37 : i1 to i32
    %sign3A_39 = arith.constant 0 : i32
    %sign3A_40 = arith.cmpi slt, %mul3A_36, %sign3A_39 : i32
    %sign3A_41 = arith.extui %sign3A_40 : i1 to i32
    %sign3A_42 = arith.subi %sign3A_38, %sign3A_41 : i32
    %sign3A_43 = arith.constant 0 : i32
    %sign3A_44 = arith.cmpi sgt, %jit3A, %sign3A_43 : i32
    %sign3A_45 = arith.extui %sign3A_44 : i1 to i32
    %sign3A_46 = arith.constant 0 : i32
    %sign3A_47 = arith.cmpi slt, %jit3A, %sign3A_46 : i32
    %sign3A_48 = arith.extui %sign3A_47 : i1 to i32
    %sign3A_49 = arith.subi %sign3A_45, %sign3A_48 : i32
    %ne3A = arith.cmpi ne, %sign3A_42, %sign3A_49 : i32
    %rem3A = arith.remsi %mul3A_36, %jit3A : i32
    %ne3A_50 = arith.constant 0 : i32
    %ne3A_51 = arith.cmpi ne, %rem3A, %ne3A_50 : i32
    %and3A = arith.andi %ne3A, %ne3A_51 : i1
    %sub3A = arith.constant 1 : i32
    %sub3A_52 = arith.subi %div3A, %sub3A : i32
    %select_n3A = arith.select %and3A, %sub3A_52, %div3A : i32
    %dma_wait3A = arith.constant 1 : i32
    %dma_wait3A_53 = arith.constant 0 : i32
    %dma_wait3A_54 = arith.constant 0 : i32
    %dma_wait3A_55 = tpu.memref_slice %arg12[%dma_wait3A, %dma_wait3A_53, %dma_wait3A_54] : memref<2x128x128xf32, #tpu.memory_space<vmem>> -> memref<1x128x128xf32, #tpu.memory_space<vmem>>
    %dma_wait3A_56 = tpu.memref_squeeze %dma_wait3A_55 : memref<1x128x128xf32, #tpu.memory_space<vmem>> -> memref<128x128xf32, #tpu.memory_space<vmem>>
    %dma_wait3A_57 = arith.constant 0 : i32
    %dma_wait3A_58 = tpu.memref_slice %arg7[%select_n3A, %dma_wait3A_57] : memref<204800x128xf32, #tpu.memory_space<hbm>> -> memref<128x128xf32, #tpu.memory_space<hbm>>
    %dma_wait3A_59 = arith.constant 0 : i32
    %dma_wait3A_60 = tpu.memref_slice %arg7[%select_n3A, %dma_wait3A_59] : memref<204800x128xf32, #tpu.memory_space<hbm>> -> memref<128x128xf32, #tpu.memory_space<hbm>>
    %dma_wait3A_61 = arith.constant 0 : i32
    %dma_wait3A_62 = arith.constant 0 : i32
    %dma_wait3A_63 = tpu.memref_slice %arg12[%dma_wait3A, %dma_wait3A_61, %dma_wait3A_62] : memref<2x128x128xf32, #tpu.memory_space<vmem>> -> memref<1x128x128xf32, #tpu.memory_space<vmem>>
    %dma_wait3A_64 = tpu.memref_squeeze %dma_wait3A_63 : memref<1x128x128xf32, #tpu.memory_space<vmem>> -> memref<128x128xf32, #tpu.memory_space<vmem>>
    tpu.wait_dma2 semaphore(%arg17 : memref<!tpu.dma_semaphore, #tpu.memory_space<semaphore_mem>>) src(%dma_wait3A_64 : memref<128x128xf32, #tpu.memory_space<vmem>>) dst(%dma_wait3A_60 : memref<128x128xf32, #tpu.memory_space<hbm>>)
    return
  }
}

module attributes {stable_mosaic.version = 14 : i64} {
  func.func @body(%arg0: memref<4096x1xi32, #tpu.memory_space<vmem>>, %arg1: memref<4096x200xi32, #tpu.memory_space<vmem>>) attributes {dimension_semantics = [], scalar_prefetch = 0 : i64, scratch_operands = 0 : i64, tpu.core_type = #tpu.core_type<tc>} {
    %iota3A = tpu.iota {dimensions = array<i32: 1>} : vector<4096x200xi32>
    %get3A = arith.constant 0 : index
    %get3A_0 = arith.constant 0 : index
    %get3A_1 = vector.load %arg0[%get3A, %get3A_0] : memref<4096x1xi32, #tpu.memory_space<vmem>>, vector<4096x1xi32>
    %lt3A = vector.broadcast %get3A_1 : vector<4096x1xi32> to vector<4096x200xi32>
    %lt3A_2 = arith.cmpi slt, %iota3A, %lt3A : vector<4096x200xi32>
    %swap3A = arith.constant 0 : index
    %swap3A_3 = arith.constant 0 : index
    %swap3A_4 = vector.load %arg1[%swap3A, %swap3A_3] : memref<4096x200xi32, #tpu.memory_space<vmem>>, vector<4096x200xi32>
    %swap3A_5 = arith.extui %lt3A_2 : vector<4096x200xi1> to vector<4096x200xi32>
    %swap3A_6 = arith.constant dense<0> : vector<4096x200xi32>
    %swap3A_7 = arith.cmpi ne, %swap3A_4, %swap3A_6 : vector<4096x200xi32>
    tpu.vector_store %arg1[%swap3A, %swap3A_3], %swap3A_5 {strides = array<i32>} : memref<4096x200xi32, #tpu.memory_space<vmem>>, vector<4096x200xi32>,
    return
  }
}

</mosaic_0001>

<sc_bundles>
// kernel: kernel.4.cloned.1.call-start
scs
__scs_entry_jumppad:
0x0: {  	(pc) =	sbr.rel $0x88, $3  }
0x1: {  	(tag) =	ssettag $0x0;
	lr =	simm.s32 $0x1  }
0x2: {  	[smem:$0x3F9B] =	sst lr;
	_ =	strace $0xD0000000  }
0x3: {  	_ = 	snop  }
0x4: {  	_ = 	snop  }
0x5: {  	_ = 	snop  }
0x6: {  	_ = 	snop  }
0x7: {  	_ = 	snop  }
__scs_overlays_trampoline_lowered:
0x8: {  	[smem:$0x3FAA] =	sst s0  }
0x9: {  	[smem:$0x3FAB] =	sst s1  }
0xa: {  	[smem:$0x3FAC] =	sst s2  }
0xb: {  	[smem:$0x3FAD] =	sst s3  }
0xc: {  	[smem:$0x3FAE] =	sst s4  }
0xd: {  	[smem:$0x3FAF] =	sst s5  }
0xe: {  	[smem:$0x3FB0] =	sst s6  }
0xf: {  	[smem:$0x3FB1] =	sst s7  }
0x10: {  	[smem:$0x3FB2] =	sst s8  }
0x11: {  	[smem:$0x3FB3] =	sst s9;
	s0 =	simm.s32 @!p0 $0x0  }
0x12: {  	s1 =	sld [smem:$0x3F99];
	s0 =	simm.s32 @p0 $0x1  }
0x13: {  	[smem:$0x3FB4] =	sst s0;
	s0 =	simm.s32 @!p1 $0x0  }
0x14: {  	s2 =	sld [smem:$0x3F98];
	s0 =	simm.s32 @p1 $0x1  }
0x15: {  	[smem:$0x3FB5] =	sst s0;
	s0 =	simm.s32 @!p2 $0x0  }
0x16: {  	s3 =	sld [smem:$0x3FDB];
	s0 =	simm.s32 @p2 $0x1  }
0x17: {  	s4 =	simm.s32 $0x1BF5;
	[smem:$0x3FB7] =	sst s0  }
0x18: {  	s0 =	sld [smem:$0x3F9A];
	_ =	swait.ge [sflag:s4], $0x0  }
0x19: {  	s7 =	sld [smem:$0x3F9B]  }
0x1a: {  	s8 =	sadd.s32 $0xFFFFE003, lr  }
0x1b: {  	s9 =	sadd.s32 $0xFFFFFEF7, lr;
	s5 =	simm.s32 $0xFFFFFFFF;
	p2 =	slt.u32 s8, $0xFFFFF086  }
0x1c: {  	p1 =	slt.u32 s9, $0xF7A;
	s5 =	simm.s32 @!p2 $0x0  }
0x1d: {  	s5 =	simm.s32 @p1 $0x1;
	p0 =	seq.s32 s7, s2  }
0x1e: {  	s7 =	smul.u32 @!p0 $0xF7A, s2;
	p2 =	seq.s32 @!p0 s5, $0x0  }
0x1f: {  	s9 =	smul.u32 $0xF7A, s1;
	s8 =	simm.s32 @!p0 $0x1BF5;
	p2 =	por !p2, p0  }
0x20: {  	[sflag:s8] =	ssyncset.s32 @!p0 $0xFFFFF086;
	s6 =	sadd.s32 @!p0 s3, s7;
	s7 =	simm.s32 @!p0 $0x108  }
0x21: {  	s3 =	sadd.s32 s3, s9;
	s6 =	sadd.s32 @!p0 $0x88, s6;
	s7 =	simm.s32 @p2 $0x1082  }
0x22: {  	[simem:s7], [sflag:s8] =	dma.local @!p0 [hbm:s6], $0xF7A  }
0x23: {  	s9 =	sor.u32 $0xD0000000, s2;
	s6 =	simm.s32 $0x108;
	_ =	swait.ge @!p0 [sflag:s8], $0x0  }
0x24: {  	s3 =	sadd.s32 $0x88, s3;
	s6 =	simm.s32 @!p1 $0x1082;
	[sflag:s4] =	ssyncset.s32 $0xFFFFF086  }
0x25: {  	[simem:s6], [sflag:s4] =	dma.local [hbm:s3], $0xF7A  }
0x26: {  	[smem:$0x3F9B] =	sst s1;
	(tag) =	ssettag s2;
	_ =	strace s9  }
0x27: {  	s1 =	sld [smem:$0x3FAB]  }
0x28: {  	s2 =	sld [smem:$0x3FAC]  }
0x29: {  	s4 =	sld [smem:$0x3FAE]  }
0x2a: {  	p0 =	seq.s32 s5, $0x0;
	s5 =	sld [smem:$0x3FAF]  }
0x2b: {  	s6 =	sld [smem:$0x3FB0]  }
0x2c: {  	s7 =	sld [smem:$0x3FB1]  }
0x2d: {  	s3 =	simm.s32 $0x108;
	s8 =	sld [smem:$0x3FB2]  }
0x2e: {  	s3 =	simm.s32 @!p0 $0x1082;
	s9 =	sld [smem:$0x3FB3]  }
0x2f: {  	lr =	sadd.s32 s0, s3;
	s0 =	sld [smem:$0x3FAA]  }
0x30: {  	s3 =	sld [smem:$0x3FAD]  }
0x31: {  	[smem:$0x3FB6] =	sst s10  }
0x32: {  	s10 =	sld [smem:$0x3FB4];
	_ =	sdelay $0x3  }
0x33: {  	p0 =	seq.s32 s10, $0x1;
	s10 =	sld [smem:$0x3FB6];
	_ =	sdelay $0x3  }
0x34: {  	[smem:$0x3FB6] =	sst s10  }
0x35: {  	s10 =	sld [smem:$0x3FB5];
	_ =	sdelay $0x3  }
0x36: {  	p1 =	seq.s32 s10, $0x1;
	s10 =	sld [smem:$0x3FB6];
	_ =	sdelay $0x3  }
0x37: {  	[smem:$0x3FB6] =	sst s10  }
0x38: {  	s10 =	sld [smem:$0x3FB7]  }
0x39: {  	_ = 	snop;
	(pc) =	sbr.ind lr, $3  }
0x3a: {  	_ = 	snop  }
0x3b: {  	_ = 	snop  }
0x3c: {  	p2 =	seq.s32 s10, $0x1;
	s10 =	sld [smem:$0x3FB6]  }
0x3d: {  	_ =	shalt  }
0x3e: {  	_ =	shalt  }
0x3f: {  	_ =	shalt  }
0x40: {  	_ =	shalt  }
0x41: {  	_ =	shalt  }
0x42: {  	_ =	shalt  }
0x43: {  	_ =	shalt  }
0x44: {  	_ =	shalt  }
0x45: {  	_ =	shalt  }
0x46: {  	_ =	shalt  }
0x47: {  	_ =	shalt  }
0x48: {  	_ =	shalt  }
0x49: {  	_ =	shalt  }
0x4a: {  	_ =	shalt  }
0x4b: {  	_ =	shalt  }
0x4c: {  	_ =	shalt  }
0x4d: {  	_ =	shalt  }
0x4e: {  	_ =	shalt  }
0x4f: {  	_ =	shalt  }
0x50: {  	_ =	shalt  }
0x51: {  	_ =	shalt  }
0x52: {  	_ =	shalt  }
0x53: {  	_ =	shalt  }
0x54: {  	_ =	shalt  }
0x55: {  	_ =	shalt  }
0x56: {  	_ =	shalt  }
0x57: {  	_ =	shalt  }
0x58: {  	_ =	shalt  }
0x59: {  	_ =	shalt  }
0x5a: {  	_ =	shalt  }
0x5b: {  	_ =	shalt  }
0x5c: {  	_ =	shalt  }
0x5d: {  	_ =	shalt  }
0x5e: {  	_ =	shalt  }
0x5f: {  	_ =	shalt  }
0x60: {  	_ =	shalt  }
0x61: {  	_ =	shalt  }
0x62: {  	_ =	shalt  }
0x63: {  	_ =	shalt  }
0x64: {  	_ =	shalt  }
0x65: {  	_ =	shalt  }
0x66: {  	_ =	shalt  }
0x67: {  	_ =	shalt  }
0x68: {  	_ =	shalt  }
0x69: {  	_ =	shalt  }
0x6a: {  	_ =	shalt  }
0x6b: {  	_ =	shalt  }
0x6c: {  	_ =	shalt  }
0x6d: {  	_ =	shalt  }
0x6e: {  	_ =	shalt  }
0x6f: {  	_ =	shalt  }
0x70: {  	_ =	shalt  }
0x71: {  	_ =	shalt  }
0x72: {  	_ =	shalt  }
0x73: {  	_ =	shalt  }
0x74: {  	_ =	shalt  }
0x75: {  	_ =	shalt  }
0x76: {  	_ =	shalt  }
0x77: {  	_ =	shalt  }
0x78: {  	_ =	shalt  }
0x79: {  	_ =	shalt  }
0x7a: {  	_ =	shalt  }
0x7b: {  	_ =	shalt  }
0x7c: {  	_ =	shalt  }
0x7d: {  	_ =	shalt  }
0x7e: {  	_ =	shalt  }
0x7f: {  	_ =	shalt  }
0x80: {  	_ =	shalt  }
0x81: {  	_ =	shalt  }
0x82: {  	_ =	shalt  }
0x83: {  	_ =	shalt  }
0x84: {  	_ =	shalt  }
0x85: {  	_ =	shalt  }
0x86: {  	_ =	shalt  }
0x87: {  	_ =	shalt  }
.Lfunc_end0:
.L_simem_size_0:
called_computation.1_lowered:
.L_overlay_start_0:
0x88: {  	s2 =	sld [smem:$0x3FD9]  }
0x89: {  	s3 =	sld [smem:$0x3FFE];
	_ =	sdelay $0x1  }
0x8a: {  	s1 =	srdreg.scid  }
0x8b: {  	s0 =	sand.u32 $0x1, s1  }
0x8c: {  	s14 =	sshll.u32 s0, $0xA;
	s2 =	sadd.s32 s3, s2  }
0x8d: {  	s2 =	sadd.s32 s2, s14  }
0x8e: {  	[smem:$0x3FC2] =	sst s2  }
0x8f: {  	_ = 	snop  }
0x90: {  	s2 =	sld [smem:$0x3FD0];
	_ =	sdelay $0x2  }
0x91: {  	s15 =	simm.s32 $0xA;
	s4 =	simm.s32 $0x10  }
0x92: {  	[smem:s4], [sflag:s15] =	dma.local [hbm:s2], $0x1  }
0x93: {  	_ =	swait.eq [sflag:s15], $0x1  }
0x94: {  	[sflag:s15] =	ssyncset.done $0x0  }
0x95: {  	s16 =	sld [smem:$0x10];
	[sflag:s15] =	ssyncadd.s32 $0xFFFFFFFF  }
0x96: {  	s17 =	sld [smem:$0x11];
	(tm) =	ssettm $0x1  }
0x97: {  	s18 =	sld [smem:$0x3FFB];
	_ =	sdelay $0x3  }
0x98: {  	_ =	strace s18  }
0x99: {  	s4 =	sld [smem:$0x3FFC];
	_ =	sdelay $0x3  }
0x9a: {  	_ =	strace s4  }
0x9b: {  	s4 =	sld [smem:$0x3FFD];
	_ =	sdelay $0x3  }
0x9c: {  	_ =	strace s4  }
0x9d: {  	_ =	strace $0x8FFFFFFF  }
0x9e: {  	s19 =	sld [smem:$0x3FDB];
	_ =	sdelay $0x1  }
0x9f: {  	s5 =	simm.s32 $_scs_section_size  }
0xa0: {  	s6 =	simm.s32 $_size__tile_overlayer_lowered;
	s7 =	simm.s32 $_tile_overlayer_lowered  }
0xa1: {  	s22 =	simm.s32 $0x1BFF;
	s21 =	sshll.u32 s7, $0x1;
	s4 =	sadd.s32 s5, s19  }
0xa2: {  	s8 =	simm.s32 $0x0;
	s20 =	sshll.u32 s6, $0x1;
	s6 =	sadd.s32 s21, s4  }
0xa3: {  	[timem:s8], [sflag:s22] =	dma.local [hbm:s6], s20  }
0xa4: {  	_ =	swait.ge [sflag:s22], s20  }
0xa5: {  	s5 =	ssub.s32 $0x0, s20;
	[sflag:s22] =	ssyncset.done $0x0  }
0xa6: {  	[sflag:s22] =	ssyncadd.s32 s5;
	_ =	sdelay $0x1  }
0xa7: {  	s23 =	simm.s32 $0x1B8B  }
0xa8: {  	_ =	swait.ge [sflag:s23], $0x1  }
0xa9: {  	[sflag:s23] =	ssyncset.done $0x0  }
0xaa: {  	s25 =	simm.s32 $0x1B8E;
	s24 =	sld [smem:$0x3FFE];
	[sflag:s23] =	ssyncadd.s32 $0xFFFFFFFF  }
0xab: {  	s26 =	simm.s32 $execute0_lowered;
	[smem:$0x3FD2] =	sst s25  }
0xac: {  	s6 =	sshll.u32 s26, $0x1;
	_ =	strace $0x80000046;
	[dreg:$0x1] =	wrdreg $0xFFFFFFFF  }
0xad: {  	s28 =	simm.s32 $_size_execute0_lowered;
	s4 =	sadd.s32 s4, s6;
	[dreg:$0x0] =	wrdreg $0x0  }
0xae: {  	s6 =	sshll.u32 s28, $0x1;
	[dreg:$0x2] =	wrdreg s4  }
0xaf: {  	[dreg:$0x3] =	wrdreg s6  }
0xb0: {  	[dreg:$0x4] =	wrdreg $0xC0  }
0xb1: {  	_ =	task [dreg:s8], $0x5FFFF  }
0xb2: {  	[dreg:$0x1] =	wrdreg $0xFFFFFFFF  }
0xb3: {  	[dreg:$0x0] =	wrdreg $0x60  }
0xb4: {  	[dreg:$0x2] =	wrdreg s24  }
0xb5: {  	[dreg:$0x3] =	wrdreg s17  }
0xb6: {  	[dreg:$0x4] =	wrdreg s16  }
0xb7: {  	[dreg:$0x5] =	wrdreg $0x9  }
0xb8: {  	_ =	task.clear_ibuf [dreg:s8], $0x6FFFF;
	_ =	strace $0x90000046  }
0xb9: {  	s29 =	simm.s32 $0x9;
	_ =	strace $0x80000048  }
0xba: {  	_ =	swait.ge [sflag:s29], $0x1  }
0xbb: {  	[sflag:s29] =	ssyncadd.s32 $0xFFFFFFFF  }
0xbc: {  	_ =	strace $0x90000048  }
0xbd: {  	_ =	sfence  }
0xbe: {  	s30 =	sld [smem:$0x0];
	_ =	sdelay $0x2  }
0xbf: {  	s31 =	sshll.u32 s1, $0xD;
	s1 =	sshrl.u32 s1, $0x2  }
0xc0: {  	s3 =	sand.u32 $0x4000, s31;
	s1 =	sadd.s32 s1, s30  }
0xc1: {  	s0 =	sor.u32 s3, s0;
	s1 =	sshll.u32 s1, $0x11  }
0xc2: {  	s0 =	sor.u32 s1, s0  }
0xc3: {  	s0 =	sadd.s32 $0x8F2B, s0  }
0xc4: {  	[sflag:s0] =	ssyncadd.remote.s32 $0x1  }
0xc5: {  	_ =	sfence.sel $0xFFFF  }
0xc6: {  	[dreg:$0x0] =	wrdreg $0xFFFFFFFF;
	(pc) =	sbr.abs _section_cstart, $3  }
0xc7: {  	[dreg:$0x1] =	wrdreg $0xFFFFFFFF  }
0xc8: {  	_ =	task.clear_ibuf [dreg:s8], $0x2FFFF;
	_ =	strace $0x9FFFFFFF  }
0xc9: {  	(tm) =	ssettm $0x7FFFFFFF  }
tec
execute0_lowered:
.L_overlay_start_1:
0x0: {  	(tag) =	ssettag $0x1  }
0x1: {  	s0 =	rddreg [dreg:$0x0]  }
0x2: {  	s1 =	rddreg [dreg:$0x1]  }
0x3: {  	s3 =	rddreg [dreg:$0x2];
	s4 =	simm.s32 $0x0  }
0x4: {  	s2 =	srdreg.scid;
	s5 =	stileid.u32;
	s16 =	simm.s32 $0x5  }
0x5: {  	s18 =	simm.s32 $0x200;
	s21 =	simm.s32 $0x600;
	s22 =	simm.s32 $0x4800  }
0x6: {  	s23 =	simm.s32 $0xC800;
	s24 =	simm.s32 $0x1;
	s28 =	simm.s32 $0x2  }
0x7: {  	s29 =	simm.s32 $0x14800;
	s31 =	simm.s32 $0x0;
	[smem:$0x7FF] =	sst s4  }
0x8: {  	s2 =	sand.u32 $0x1, s2;
	s5 =	sshll.u32 s5, $0x1;
	s7 =	sadd.s32 $0x1200, s0  }
0x9: {  	s8 =	sadd.s32 $0xF43800, s0;
	s6 =	sor.u32 s2, s5;
	s2 =	ssub.s32 $0x2, s2  }
0xa: {  	_ =	strace $0x80000047;
	s6 =	smul.u32 $0x6400, s6;
	s9 =	sshrl.u32 s2, $0x1  }
0xb: {  	s5 =	sadd.s32 $0x1A200, s0;
	s0 =	sadd.s32 $0x33200, s0;
	s25 =	ssub.s32 s2, s9  }
0xc: {  	[dreg:$0x4] =	wrdreg s0;
	s26 =	sshrl.u32 s6, $0x3;
	s0 =	smax.u32 s25, $0x1  }
0xd: {  	s12 =	sor.u32 $0x200, s6;
	s30 =	sadd.s32 s5, s26;
	[dreg:$0x7] =	wrdreg s0  }
0xe: {  	s13 =	sadd.s32 $0x400, s6;
	s2 =	sadd.s32 s7, s26;
	[dreg:$0x5] =	wrdreg s30  }
0xf: {  	s25 =	simm.s32 $0x10800;
	s26 =	simm.s32 $0x3;
	[dreg:$0x6] =	wrdreg s2  }
.LBB2_1:
0x10: {  	s0 =	rddreg [dreg:$0x4];
	s2 =	simm.s32 $0x18800  }
0x11: {  	[tilespmem:s2], [sflag:$0x5] =	stream.linear.gather [hbm4b:s0+s4], $0x1900, $0x38;
	[tilespmem:$0x1A100] =	vst v63  }
0x12: {  	_ =	swait.ge [sflag:s16], $0x1900  }
0x13: {  	[sflag:s16] =	ssyncset.done $0x0  }
0x14: {  	s15 =	rddreg [dreg:$0x5];
	[sflag:s16] =	ssyncadd.s32 $0xFFFFE700  }
0x15: {  	[tilespmem:s4], [sflag:$0x5] =	stream.linear.gather [hbm4b:s15+s4], $0x200, $0x38;
	[tilespmem:$0x1A100] =	vst v63  }
0x16: {  	_ =	swait.ge [sflag:s16], $0x200  }
0x17: {  	[sflag:s16] =	ssyncset.done $0x0  }
0x18: {  	s19 =	simm.s32 $0x400;
	s17 =	rddreg [dreg:$0x6];
	[sflag:s16] =	ssyncadd.s32 $0xFFFFFE00  }
0x19: {  	[tilespmem:s19], [sflag:$0x5] =	stream.linear.gather [hbm4b:s17+s4], $0x200, $0x38;
	[tilespmem:$0x1A100] =	vst v63  }
0x1a: {  	_ =	swait.ge [sflag:s16], $0x200  }
0x1b: {  	[sflag:s16] =	ssyncset.done $0x0  }
0x1c: {  	s20 =	simm.s32 $0x800;
	[sflag:s16] =	ssyncadd.s32 $0xFFFFFE00  }
0x1d: {  	[tilespmem:s20], [sflag:$0x1] =	stream.indirect.gather [hbm4b:s8+s18], $0x20, s4, s18, $0xb8;
	[tilespmem:$0x1A100] =	vst v63  }
0x1e: {  	s30 =	simm.s32 $0x8800;
	s0 =	simm.s32 $0x0  }
0x1f: {  	[tilespmem:s30], [sflag:$0x1] =	stream.indirect.gather [hbm4b:s1+s18], $0x20, s19, s18, $0xb8;
	[tilespmem:$0x1A100] =	vst v63  }
.LBB2_2:
0x20: {  	p0 =	seq.s32 s0, $0x0  }
0x21: {  	s15 =	sshll.u32 s0, $0xA;
	s9 =	simm.s32 @!p0 $0x4  }
0x22: {  	s2 =	sadd.s32 s15, s12;
	_ =	swait.ge @!p0 [sflag:s9], $0x4000  }
0x23: {  	s10 =	sshrl.u32 s2, $0x3;
	[sflag:s9] =	ssyncset.done @!p0 $0x0  }
0x24: {  	s17 =	sadd.s32 s5, s10;
	[sflag:s9] =	ssyncadd.s32 @!p0 $0xFFFFC000  }
0x25: {  	[tilespmem:s18], [sflag:$0x5] =	stream.linear.gather [hbm4b:s17+s4], $0x200, $0x38;
	[tilespmem:$0x1A100] =	vst v63  }
0x26: {  	_ =	swait.ge [sflag:s16], $0x200  }
0x27: {  	[sflag:s16] =	ssyncset.done $0x0  }
0x28: {  	s19 =	sadd.s32 s7, s10;
	[sflag:s16] =	ssyncadd.s32 $0xFFFFFE00  }
0x29: {  	[tilespmem:s21], [sflag:$0x5] =	stream.linear.gather [hbm4b:s19+s4], $0x200, $0x38;
	[tilespmem:$0x1A100] =	vst v63  }
0x2a: {  	_ =	swait.ge [sflag:s16], $0x200  }
0x2b: {  	[sflag:s16] =	ssyncset.done $0x0  }
0x2c: {  	[sflag:s16] =	ssyncadd.s32 $0xFFFFFE00  }
0x2d: {  	[tilespmem:s22], [sflag:$0x2] =	stream.indirect.gather [hbm4b:s8+s18], $0x20, s18, s18, $0xb8;
	[tilespmem:$0x1A100] =	vst v63  }
0x2e: {  	_ = 	snop  }
0x2f: {  	[tilespmem:s23], [sflag:$0x2] =	stream.indirect.gather [hbm4b:s1+s18], $0x20, s21, s18, $0xb8;
	[tilespmem:$0x1A100] =	vst v63  }
0x30: {  	_ =	swait.ge [sflag:s24], $0x4000  }
0x31: {  	[sflag:s24] =	ssyncset.done $0x0  }
0x32: {  	[sflag:s24] =	ssyncadd.s32 $0xFFFFC000  }
0x33: {  	_ =	swait.ge [sflag:s24], $0x4000  }
0x34: {  	[sflag:s24] =	ssyncset.done $0x0  }
0x35: {  	s14 =	simm.s32 $0x900;
	[sflag:s24] =	ssyncadd.s32 $0xFFFFC000  }
0x36: {  	s11 =	simm.s32 $0x8900;
	s19 =	sadd.s32 s6, s15;
	v2 =	vld [tilespmem:s14+$0x80]  }
0x37: {  	s20 =	sshrl.u32 s19, $0x7;
	v3 =	vld [tilespmem:s11+$0x80]  }
0x38: {  	s9 =	sand.u32 $0xFFFFE0, s20  }
0x39: {  	v1 =	vld [tilespmem:s9+$0x18800];
	_ =	sdelay $0x2  }
0x3a: {  	v4 =	vld [tilespmem:s14+$0xFFFFFF80];
	v2 =	vadd.f32 v3, v2  }
0x3b: {  	v3 =	vld [tilespmem:s11+$0xFFFFFF80]  }
0x3c: {  	v0 =	vld [tilespmem:s9+$0x18810];
	v2 =	vadd.f32 v2, v1  }
0x3d: {  	s20 =	simm.s32 $0x10900;
	v5 =	vld [tilespmem:s11+$0xFFFFFF00]  }
0x3e: {  	v6 =	vld [tilespmem:s14+$0xFFFFFF00];
	[tilespmem:s20+$0x80] =	vst v2  }
0x3f: {  	v2 =	vld [tilespmem:s14+$0x90]  }
0x40: {  	v3 =	vadd.f32 v3, v4;
	v4 =	vld [tilespmem:s11+$0x90];
	_ =	sdelay $0x1  }
0x41: {  	v3 =	vadd.f32 v3, v1  }
0x42: {  	v5 =	vadd.f32 v5, v6  }
0x43: {  	[tilespmem:s20+$0xFFFFFF80] =	vst v3  }
0x44: {  	v3 =	vadd.f32 v5, v1;
	v5 =	vld [tilespmem:s14+$0xFFFFFF90];
	v2 =	vadd.f32 v4, v2  }
0x45: {  	v4 =	vld [tilespmem:s11+$0xFFFFFF90]  }
0x46: {  	v2 =	vadd.f32 v2, v0  }
0x47: {  	v7 =	vld [tilespmem:s11+$0x0]  }
0x48: {  	v6 =	vld [tilespmem:s14+$0x0];
	[tilespmem:s20+$0x90] =	vst v2  }
0x49: {  	v2 =	vld [tilespmem:s14+$0xA0]  }
0x4a: {  	v4 =	vadd.f32 v4, v5;
	v5 =	vld [tilespmem:s11+$0xA0];
	_ =	sdelay $0x1  }
0x4b: {  	[tilespmem:s20+$0xFFFFFF00] =	vst v3;
	v4 =	vadd.f32 v4, v0  }
0x4c: {  	v6 =	vadd.f32 v7, v6;
	v3 =	vld [tilespmem:s14+$0xFFFFFF10]  }
0x4d: {  	v8 =	vld [tilespmem:s11+$0xFFFFFF10];
	[tilespmem:s20+$0xFFFFFF90] =	vst v4  }
0x4e: {  	v6 =	vadd.f32 v6, v1;
	v4 =	vld [tilespmem:s14+$0xFFFFFFA0];
	v2 =	vadd.f32 v5, v2  }
0x4f: {  	v5 =	vld [tilespmem:s11+$0xFFFFFFA0]  }
0x50: {  	[tilespmem:s20+$0x0] =	vst v6;
	v2 =	vadd.f32 v2, v1  }
0x51: {  	v6 =	vld [tilespmem:s14+$0x10]  }
0x52: {  	v7 =	vld [tilespmem:s11+$0x10];
	v3 =	vadd.f32 v8, v3;
	[tilespmem:s20+$0xA0] =	vst v2  }
0x53: {  	v2 =	vld [tilespmem:s14+$0xB0]  }
0x54: {  	v3 =	vadd.f32 v3, v0;
	v4 =	vadd.f32 v5, v4;
	v5 =	vld [tilespmem:s11+$0xB0];
	_ =	sdelay $0x1  }
0x55: {  	[tilespmem:s20+$0xFFFFFF10] =	vst v3;
	v4 =	vadd.f32 v4, v1  }
0x56: {  	v6 =	vadd.f32 v7, v6;
	v3 =	vld [tilespmem:s14+$0xFFFFFF20]  }
0x57: {  	v8 =	vld [tilespmem:s11+$0xFFFFFF20];
	[tilespmem:s20+$0xFFFFFFA0] =	vst v4  }
0x58: {  	v6 =	vadd.f32 v6, v0;
	v4 =	vld [tilespmem:s14+$0xFFFFFFB0];
	v2 =	vadd.f32 v5, v2  }
0x59: {  	v5 =	vld [tilespmem:s11+$0xFFFFFFB0]  }
0x5a: {  	[tilespmem:s20+$0x10] =	vst v6;
	v2 =	vadd.f32 v2, v0  }
0x5b: {  	v6 =	vld [tilespmem:s14+$0x20]  }
0x5c: {  	v7 =	vld [tilespmem:s11+$0x20];
	v3 =	vadd.f32 v8, v3;
	[tilespmem:s20+$0xB0] =	vst v2  }
0x5d: {  	v2 =	vld [tilespmem:s14+$0xC0]  }
0x5e: {  	v3 =	vadd.f32 v3, v1;
	v4 =	vadd.f32 v5, v4;
	v5 =	vld [tilespmem:s11+$0xC0];
	_ =	sdelay $0x1  }
0x5f: {  	[tilespmem:s20+$0xFFFFFF20] =	vst v3;
	v4 =	vadd.f32 v4, v0  }
0x60: {  	v6 =	vadd.f32 v7, v6;
	v3 =	vld [tilespmem:s14+$0xFFFFFF30]  }
0x61: {  	v8 =	vld [tilespmem:s11+$0xFFFFFF30];
	[tilespmem:s20+$0xFFFFFFB0] =	vst v4  }
0x62: {  	v6 =	vadd.f32 v6, v1;
	v4 =	vld [tilespmem:s14+$0xFFFFFFC0];
	v2 =	vadd.f32 v5, v2  }
0x63: {  	v5 =	vld [tilespmem:s11+$0xFFFFFFC0]  }
0x64: {  	[tilespmem:s20+$0x20] =	vst v6;
	v2 =	vadd.f32 v2, v1  }
0x65: {  	v6 =	vld [tilespmem:s14+$0x30]  }
0x66: {  	v7 =	vld [tilespmem:s11+$0x30];
	v3 =	vadd.f32 v8, v3;
	[tilespmem:s20+$0xC0] =	vst v2  }
0x67: {  	v2 =	vld [tilespmem:s14+$0xD0]  }
0x68: {  	s10 =	simm.s32 $0x8B00;
	v3 =	vadd.f32 v3, v0;
	v4 =	vadd.f32 v5, v4;
	v5 =	vld [tilespmem:s11+$0xD0]  }
0x69: {  	v9 =	vld [tilespmem:s10+$0x80]  }
0x6a: {  	v11 =	vld [tilespmem:s10+$0xFFFFFF00];
	[tilespmem:s20+$0xFFFFFF30] =	vst v3  }
0x6b: {  	v6 =	vadd.f32 v7, v6;
	v3 =	vld [tilespmem:s14+$0xFFFFFF40]  }
0x6c: {  	v8 =	vld [tilespmem:s11+$0xFFFFFF40]  }
0x6d: {  	v13 =	vld [tilespmem:s10+$0xFFFFFF80];
	v6 =	vadd.f32 v6, v0;
	v2 =	vadd.f32 v5, v2  }
0x6e: {  	s9 =	simm.s32 $0xB00;
	v14 =	vld [tilespmem:s10+$0x0]  }
0x6f: {  	v12 =	vld [tilespmem:s9+$0xFFFFFF80];
	[tilespmem:s20+$0x30] =	vst v6;
	v2 =	vadd.f32 v2, v0  }
0x70: {  	v6 =	vld [tilespmem:s14+$0x40]  }
0x71: {  	v3 =	vadd.f32 v8, v3;
	v8 =	vld [tilespmem:s9+$0x80];
	[tilespmem:s20+$0xD0] =	vst v2  }
0x72: {  	v4 =	vadd.f32 v4, v1;
	v2 =	vld [tilespmem:s14+$0xE0]  }
0x73: {  	v10 =	vld [tilespmem:s11+$0xE0]  }
0x74: {  	v7 =	vld [tilespmem:s11+$0x40];
	[tilespmem:s20+$0xFFFFFFC0] =	vst v4  }
0x75: {  	v4 =	vld [tilespmem:s14+$0xFFFFFFD0]  }
0x76: {  	v3 =	vadd.f32 v3, v1;
	v5 =	vld [tilespmem:s11+$0xFFFFFFD0];
	v8 =	vadd.f32 v9, v8  }
0x77: {  	v9 =	vld [tilespmem:s9+$0x0]  }
0x78: {  	[tilespmem:s20+$0xFFFFFF40] =	vst v3;
	v8 =	vadd.f32 v8, v1;
	v2 =	vadd.f32 v10, v2;
	v10 =	vld [tilespmem:s9+$0xFFFFFF00]  }
0x79: {  	s17 =	simm.s32 $0x10B00;
	v6 =	vadd.f32 v7, v6;
	v3 =	vld [tilespmem:s14+$0xFFFFFF50]  }
0x7a: {  	v7 =	vld [tilespmem:s11+$0xFFFFFF50];
	[tilespmem:s17+$0x80] =	vst v8;
	v8 =	vadd.f32 v13, v12;
	v2 =	vadd.f32 v2, v1  }
0x7b: {  	v6 =	vadd.f32 v6, v1;
	v46 =	vld [tilespmem:s9+$0x90]  }
0x7c: {  	v47 =	vld [tilespmem:s10+$0x90];
	[tilespmem:s20+$0xE0] =	vst v2;
	v2 =	vadd.f32 v8, v1;
	v8 =	vadd.f32 v14, v9  }
0x7d: {  	[tilespmem:s20+$0x40] =	vst v6;
	v9 =	vld [tilespmem:s14+$0xF0];
	v6 =	vadd.f32 v11, v10  }
0x7e: {  	v10 =	vld [tilespmem:s11+$0xF0];
	[tilespmem:s17+$0xFFFFFF80] =	vst v2;
	v2 =	vadd.f32 v8, v1  }
0x7f: {  	v6 =	vadd.f32 v6, v1;
	v11 =	vld [tilespmem:s9+$0xFFFFFF90]  }
0x80: {  	v48 =	vld [tilespmem:s10+$0xFFFFFF90];
	[tilespmem:s17+$0x0] =	vst v2  }
0x81: {  	v2 =	vadd.f32 v47, v46;
	[tilespmem:s17+$0xFFFFFF00] =	vst v6;
	v6 =	vld [tilespmem:s9+$0x10]  }
0x82: {  	v50 =	vld [tilespmem:s10+$0x10]  }
0x83: {  	v49 =	vld [tilespmem:s9+$0xFFFFFF10];
	v2 =	vadd.f32 v2, v0  }
0x84: {  	v3 =	vadd.f32 v7, v3;
	v7 =	vld [tilespmem:s10+$0xFFFFFF10]  }
0x85: {  	v8 =	vld [tilespmem:s14+$0x50];
	[tilespmem:s17+$0x90] =	vst v2  }
0x86: {  	v2 =	vadd.f32 v3, v0;
	v3 =	vadd.f32 v48, v11;
	v11 =	vld [tilespmem:s9+$0xA0]  }
0x87: {  	v4 =	vadd.f32 v5, v4;
	v51 =	vld [tilespmem:s10+$0xA0]  }
0x88: {  	[tilespmem:s20+$0xFFFFFF50] =	vst v2;
	v2 =	vadd.f32 v3, v0;
	v3 =	vld [tilespmem:s11+$0x50];
	v6 =	vadd.f32 v50, v6  }
0x89: {  	v4 =	vadd.f32 v4, v0;
	v5 =	vadd.f32 v7, v49;
	v7 =	vld [tilespmem:s14+$0xFFFFFF60]  }
0x8a: {  	[tilespmem:s17+$0xFFFFFF90] =	vst v2;
	v2 =	vld [tilespmem:s11+$0xFFFFFF60];
	v6 =	vadd.f32 v6, v0  }
0x8b: {  	[tilespmem:s20+$0xFFFFFFD0] =	vst v4;
	v5 =	vadd.f32 v5, v0;
	v52 =	vld [tilespmem:s9+$0xFFFFFFA0]  }
0x8c: {  	v4 =	vld [tilespmem:s10+$0xFFFFFFA0];
	v11 =	vadd.f32 v51, v11;
	[tilespmem:s17+$0x10] =	vst v6  }
0x8d: {  	[tilespmem:s17+$0xFFFFFF10] =	vst v5;
	v3 =	vadd.f32 v3, v8;
	v8 =	vld [tilespmem:s9+$0x20]  }
0x8e: {  	v53 =	vld [tilespmem:s9+$0xFFFFFF20];
	v11 =	vadd.f32 v11, v1  }
0x8f: {  	v6 =	vld [tilespmem:s10+$0xFFFFFF20]  }
0x90: {  	v55 =	vld [tilespmem:s10+$0x20];
	[tilespmem:s17+$0xA0] =	vst v11  }
0x91: {  	v4 =	vadd.f32 v4, v52;
	v11 =	vld [tilespmem:s9+$0xB0]  }
0x92: {  	v3 =	vadd.f32 v3, v0;
	v54 =	vld [tilespmem:s10+$0xB0]  }
0x93: {  	v5 =	vld [tilespmem:s14+$0xFFFFFFE0];
	v4 =	vadd.f32 v4, v1  }
0x94: {  	[tilespmem:s20+$0x50] =	vst v3;
	v3 =	vadd.f32 v6, v53;
	v6 =	vld [tilespmem:s11+$0xFFFFFFE0]  }
0x95: {  	v2 =	vadd.f32 v2, v7;
	[tilespmem:s17+$0xFFFFFFA0] =	vst v4;
	v4 =	vld [tilespmem:s14+$0x60]  }
0x96: {  	v8 =	vadd.f32 v55, v8;
	v3 =	vadd.f32 v3, v1;
	v7 =	vld [tilespmem:s9+$0xFFFFFFB0]  }
0x97: {  	v2 =	vadd.f32 v2, v1;
	v56 =	vld [tilespmem:s10+$0xFFFFFFB0];
	v11 =	vadd.f32 v54, v11  }
0x98: {  	v8 =	vadd.f32 v8, v1;
	[tilespmem:s17+$0xFFFFFF20] =	vst v3;
	v3 =	vld [tilespmem:s11+$0x60]  }
0x99: {  	[tilespmem:s20+$0xFFFFFF60] =	vst v2;
	v57 =	vld [tilespmem:s9+$0xFFFFFF30];
	v11 =	vadd.f32 v11, v0  }
0x9a: {  	[tilespmem:s17+$0x20] =	vst v8;
	v2 =	vld [tilespmem:s10+$0xFFFFFF30]  }
0x9b: {  	v59 =	vld [tilespmem:s10+$0x30];
	[tilespmem:s17+$0xB0] =	vst v11  }
0x9c: {  	v7 =	vadd.f32 v56, v7;
	v58 =	vld [tilespmem:s9+$0xC0]  }
0x9d: {  	v8 =	vld [tilespmem:s10+$0xC0]  }
0x9e: {  	v5 =	vadd.f32 v6, v5;
	v11 =	vld [tilespmem:s14+$0xFFFFFF70];
	v6 =	vadd.f32 v7, v0  }
0x9f: {  	v7 =	vld [tilespmem:s9+$0x30];
	v2 =	vadd.f32 v2, v57  }
0xa0: {  	v5 =	vadd.f32 v5, v1;
	[tilespmem:s17+$0xFFFFFFB0] =	vst v6;
	v6 =	vld [tilespmem:s11+$0xFFFFFF70]  }
0xa1: {  	v2 =	vadd.f32 v2, v0;
	v60 =	vld [tilespmem:s9+$0xFFFFFFC0]  }
0xa2: {  	[tilespmem:s20+$0xFFFFFFE0] =	vst v5;
	v5 =	vld [tilespmem:s10+$0xFFFFFFC0];
	v8 =	vadd.f32 v8, v58  }
0xa3: {  	[tilespmem:s17+$0xFFFFFF30] =	vst v2;
	v2 =	vld [tilespmem:s14+$0xFFFFFFF0]  }
0xa4: {  	v7 =	vadd.f32 v59, v7;
	v61 =	vld [tilespmem:s9+$0xFFFFFF40];
	v8 =	vadd.f32 v8, v1  }
0xa5: {  	v62 =	vld [tilespmem:s10+$0xFFFFFF40]  }
0xa6: {  	v3 =	vadd.f32 v3, v4;
	v4 =	vadd.f32 v7, v0;
	v7 =	vld [tilespmem:s11+$0xFFFFFFF0];
	[tilespmem:s17+$0xC0] =	vst v8  }
0xa7: {  	v5 =	vadd.f32 v5, v60;
	v8 =	vld [tilespmem:s9+$0xD0]  }
0xa8: {  	v9 =	vadd.f32 v10, v9;
	v3 =	vadd.f32 v3, v1;
	[tilespmem:s17+$0x30] =	vst v4;
	v4 =	vld [tilespmem:s10+$0xD0]  }
0xa9: {  	v6 =	vadd.f32 v6, v11;
	v5 =	vadd.f32 v5, v1;
	v10 =	vld [tilespmem:s9+$0x40]  }
0xaa: {  	[tilespmem:s20+$0x60] =	vst v3;
	v3 =	vadd.f32 v9, v0;
	v11 =	vld [tilespmem:s10+$0x40];
	v9 =	vadd.f32 v62, v61  }
0xab: {  	v6 =	vadd.f32 v6, v0;
	[tilespmem:s17+$0xFFFFFFC0] =	vst v5;
	v7 =	vadd.f32 v7, v2;
	v2 =	vld [tilespmem:s14+$0x70]  }
0xac: {  	[tilespmem:s20+$0xF0] =	vst v3;
	v3 =	vadd.f32 v9, v1;
	v5 =	vld [tilespmem:s9+$0xFFFFFFD0]  }
0xad: {  	[tilespmem:s20+$0xFFFFFF70] =	vst v6;
	v6 =	vld [tilespmem:s10+$0xFFFFFFD0];
	v9 =	vadd.f32 v4, v8;
	v63 =	vadd.f32 v7, v0  }
0xae: {  	v4 =	vld [tilespmem:s11+$0x70];
	[tilespmem:s17+$0xFFFFFF40] =	vst v3  }
0xaf: {  	s30 =	simm.s32 $0xD00;
	s14 =	simm.s32 $0x4;
	s11 =	simm.s32 $0x8B00;
	v8 =	vadd.f32 v11, v10;
	v3 =	vld [tilespmem:s9+$0xFFFFFF50];
	v7 =	vadd.f32 v9, v0;
	[tilespmem:s20+$0xFFFFFFF0] =	vst v63  }
.LBB2_3:
0xb0: {  	v9 =	vld [tilespmem:s30+$0x80];
	s10 =	sadd.s32 $0x200, s10  }
0xb1: {  	v10 =	vld [tilespmem:s10+$0x80];
	v8 =	vadd.f32 v8, v1;
	[tilespmem:s17+$0xD0] =	vst v7  }
0xb2: {  	v5 =	vadd.f32 v6, v5;
	v6 =	vld [tilespmem:s9+$0xE0]  }
0xb3: {  	[tilespmem:s17+$0x40] =	vst v8;
	v7 =	vld [tilespmem:s11+$0xE0];
	v2 =	vadd.f32 v4, v2  }
0xb4: {  	v4 =	vld [tilespmem:s10+$0xFFFFFF00];
	v5 =	vadd.f32 v5, v0  }
0xb5: {  	v8 =	vld [tilespmem:s30+$0xFFFFFF80];
	v2 =	vadd.f32 v2, v0  }
0xb6: {  	v11 =	vld [tilespmem:s10+$0xFFFFFF80];
	v9 =	vadd.f32 v10, v9;
	[tilespmem:s17+$0xFFFFFFD0] =	vst v5  }
0xb7: {  	v5 =	vld [tilespmem:s30+$0x0];
	[tilespmem:s20+$0x70] =	vst v2;
	s20 =	smov.u32 s17  }
0xb8: {  	s14 =	sadd.s32 $0x4, s14;
	v2 =	vld [tilespmem:s10+$0x0];
	v9 =	vadd.f32 v9, v1;
	v6 =	vadd.f32 v7, v6  }
0xb9: {  	p0 =	slt.u32 s14, $0x7C;
	s17 =	sadd.s32 $0x200, s17;
	v7 =	vld [tilespmem:s30+$0xFFFFFF00]  }
0xba: {  	[tilespmem:s17+$0x80] =	vst v9;
	v9 =	vld [tilespmem:s11+$0xFFFFFF50];
	v6 =	vadd.f32 v6, v1  }
0xbb: {  	v8 =	vadd.f32 v11, v8;
	v10 =	vld [tilespmem:s30+$0x90]  }
0xbc: {  	v11 =	vld [tilespmem:s10+$0x90];
	[tilespmem:s20+$0xE0] =	vst v6  }
0xbd: {  	v6 =	vadd.f32 v8, v1;
	v2 =	vadd.f32 v2, v5;
	v5 =	vld [tilespmem:s9+$0xF0]  }
0xbe: {  	v4 =	vadd.f32 v4, v7;
	v7 =	vld [tilespmem:s11+$0xF0]  }
0xbf: {  	[tilespmem:s17+$0xFFFFFF80] =	vst v6;
	v2 =	vadd.f32 v2, v1;
	v3 =	vadd.f32 v9, v3;
	v6 =	vld [tilespmem:s9+$0x50]  }
0xc0: {  	v4 =	vadd.f32 v4, v1;
	v8 =	vld [tilespmem:s30+$0xFFFFFF90]  }
0xc1: {  	v9 =	vld [tilespmem:s10+$0xFFFFFF90];
	[tilespmem:s17+$0x0] =	vst v2;
	v2 =	vadd.f32 v11, v10;
	v3 =	vadd.f32 v3, v0  }
0xc2: {  	[tilespmem:s17+$0xFFFFFF00] =	vst v4;
	v4 =	vld [tilespmem:s30+$0x10]  }
0xc3: {  	v10 =	vld [tilespmem:s30+$0xFFFFFF10];
	v2 =	vadd.f32 v2, v0;
	[tilespmem:s20+$0xFFFFFF50] =	vst v3;
	v3 =	vadd.f32 v7, v5  }
0xc4: {  	v5 =	vld [tilespmem:s10+$0xFFFFFF10]  }
0xc5: {  	v7 =	vld [tilespmem:s10+$0x10];
	[tilespmem:s17+$0x90] =	vst v2;
	v2 =	vadd.f32 v3, v0  }
0xc6: {  	v3 =	vadd.f32 v9, v8;
	v8 =	vld [tilespmem:s30+$0xA0]  }
0xc7: {  	v9 =	vld [tilespmem:s10+$0xA0];
	[tilespmem:s20+$0xF0] =	vst v2  }
0xc8: {  	v2 =	vadd.f32 v3, v0;
	v3 =	vld [tilespmem:s11+$0x50]  }
0xc9: {  	v5 =	vadd.f32 v5, v10;
	v10 =	vld [tilespmem:s9+$0xFFFFFF60]  }
0xca: {  	[tilespmem:s17+$0xFFFFFF90] =	vst v2;
	v2 =	vadd.f32 v7, v4;
	v4 =	vld [tilespmem:s11+$0xFFFFFF60]  }
0xcb: {  	v5 =	vadd.f32 v5, v0;
	v7 =	vld [tilespmem:s30+$0xFFFFFFA0]  }
0xcc: {  	v11 =	vld [tilespmem:s10+$0xFFFFFFA0];
	v2 =	vadd.f32 v2, v0;
	v8 =	vadd.f32 v9, v8  }
0xcd: {  	[tilespmem:s17+$0xFFFFFF10] =	vst v5;
	v5 =	vld [tilespmem:s9+$0xFFFFFFE0];
	v3 =	vadd.f32 v3, v6  }
0xce: {  	v6 =	vld [tilespmem:s30+$0xFFFFFF20];
	[tilespmem:s17+$0x10] =	vst v2;
	v2 =	vadd.f32 v8, v1  }
0xcf: {  	v8 =	vld [tilespmem:s10+$0xFFFFFF20];
	v4 =	vadd.f32 v4, v10;
	v3 =	vadd.f32 v3, v0  }
0xd0: {  	v9 =	vld [tilespmem:s30+$0x20];
	[tilespmem:s17+$0xA0] =	vst v2  }
0xd1: {  	v2 =	vadd.f32 v11, v7;
	v7 =	vld [tilespmem:s30+$0xB0];
	v4 =	vadd.f32 v4, v1;
	[tilespmem:s20+$0x50] =	vst v3  }
0xd2: {  	v3 =	vld [tilespmem:s10+$0xB0]  }
0xd3: {  	v2 =	vadd.f32 v2, v1;
	v10 =	vld [tilespmem:s10+$0x20];
	[tilespmem:s20+$0xFFFFFF60] =	vst v4  }
0xd4: {  	v4 =	vadd.f32 v8, v6;
	v6 =	vld [tilespmem:s11+$0xFFFFFFE0]  }
0xd5: {  	[tilespmem:s17+$0xFFFFFFA0] =	vst v2;
	v2 =	vld [tilespmem:s9+$0x60]  }
0xd6: {  	v4 =	vadd.f32 v4, v1;
	v8 =	vld [tilespmem:s30+$0xFFFFFFB0]  }
0xd7: {  	v11 =	vld [tilespmem:s10+$0xFFFFFFB0];
	v3 =	vadd.f32 v3, v7  }
0xd8: {  	[tilespmem:s17+$0xFFFFFF20] =	vst v4;
	v4 =	vadd.f32 v10, v9;
	v7 =	vld [tilespmem:s11+$0x60]  }
0xd9: {  	v9 =	vld [tilespmem:s30+$0xFFFFFF30];
	v3 =	vadd.f32 v3, v0;
	v5 =	vadd.f32 v6, v5  }
0xda: {  	v6 =	vld [tilespmem:s10+$0xFFFFFF30];
	v4 =	vadd.f32 v4, v1  }
0xdb: {  	[tilespmem:s17+$0xB0] =	vst v3;
	v3 =	vld [tilespmem:s9+$0xFFFFFF70];
	v5 =	vadd.f32 v5, v1  }
0xdc: {  	v8 =	vadd.f32 v11, v8;
	[tilespmem:s17+$0x20] =	vst v4;
	v4 =	vld [tilespmem:s30+$0xC0]  }
0xdd: {  	v10 =	vld [tilespmem:s10+$0xC0];
	[tilespmem:s20+$0xFFFFFFE0] =	vst v5;
	v2 =	vadd.f32 v7, v2  }
0xde: {  	v5 =	vadd.f32 v8, v0;
	v7 =	vld [tilespmem:s30+$0x30]  }
0xdf: {  	v6 =	vadd.f32 v6, v9;
	v8 =	vld [tilespmem:s10+$0x30];
	v2 =	vadd.f32 v2, v1  }
0xe0: {  	[tilespmem:s17+$0xFFFFFFB0] =	vst v5;
	v5 =	vld [tilespmem:s11+$0xFFFFFF70]  }
0xe1: {  	v6 =	vadd.f32 v6, v0;
	v9 =	vld [tilespmem:s30+$0xFFFFFFC0];
	[tilespmem:s20+$0x60] =	vst v2  }
0xe2: {  	v2 =	vld [tilespmem:s10+$0xFFFFFFC0];
	v4 =	vadd.f32 v10, v4  }
0xe3: {  	[tilespmem:s17+$0xFFFFFF30] =	vst v6;
	v6 =	vld [tilespmem:s9+$0xFFFFFFF0]  }
0xe4: {  	v10 =	vld [tilespmem:s30+$0xFFFFFF40];
	v7 =	vadd.f32 v8, v7;
	v4 =	vadd.f32 v4, v1  }
0xe5: {  	v8 =	vld [tilespmem:s10+$0xFFFFFF40];
	v3 =	vadd.f32 v5, v3  }
0xe6: {  	v5 =	vadd.f32 v7, v0;
	[tilespmem:s17+$0xC0] =	vst v4;
	v4 =	vld [tilespmem:s11+$0xFFFFFFF0]  }
0xe7: {  	v2 =	vadd.f32 v2, v9;
	v7 =	vld [tilespmem:s30+$0xD0];
	v3 =	vadd.f32 v3, v0  }
0xe8: {  	[tilespmem:s17+$0x30] =	vst v5;
	v9 =	vld [tilespmem:s10+$0xD0]  }
0xe9: {  	v2 =	vadd.f32 v2, v1;
	v11 =	vld [tilespmem:s30+$0x40];
	[tilespmem:s20+$0xFFFFFF70] =	vst v3  }
0xea: {  	v3 =	vadd.f32 v8, v10;
	v8 =	vld [tilespmem:s10+$0x40]  }
.Ltmp0:
0xeb: {  	[tilespmem:s17+$0xFFFFFFC0] =	vst v2;
	v4 =	vadd.f32 v4, v6;
	v2 =	vld [tilespmem:s9+$0x70];
	s9 =	smov.u32 s30;
	(pc) =	sbr.rel @p0 .LBB2_3-.Ltmp0, $4  }
0xec: {  	v3 =	vadd.f32 v3, v1;
	v5 =	vld [tilespmem:s30+$0xFFFFFFD0]  }
0xed: {  	v6 =	vld [tilespmem:s10+$0xFFFFFFD0];
	v7 =	vadd.f32 v9, v7;
	v9 =	vadd.f32 v4, v0  }
0xee: {  	[tilespmem:s17+$0xFFFFFF40] =	vst v3;
	v4 =	vld [tilespmem:s11+$0x70];
	s11 =	smov.u32 s10  }
0xef: {  	s30 =	sadd.s32 $0x200, s30;
	v3 =	vld [tilespmem:s9+$0xFFFFFF50];
	v8 =	vadd.f32 v8, v11;
	v7 =	vadd.f32 v7, v0;
	[tilespmem:s20+$0xFFFFFFF0] =	vst v9  }
0xf0: {  	_ = 	snop  }
0xf1: {  	v9 =	vld [tilespmem:s11+$0xFFFFFF50];
	v8 =	vadd.f32 v8, v1;
	_ =	sdelay $0x1  }
0xf2: {  	[tilespmem:s17+$0x40] =	vst v8  }
0xf3: {  	v8 =	vld [tilespmem:s9+$0x50]  }
0xf4: {  	v10 =	vld [tilespmem:s11+$0x50]  }
0xf5: {  	v3 =	vadd.f32 v9, v3;
	_ =	sdelay $0x1  }
0xf6: {  	[tilespmem:s17+$0xD0] =	vst v7;
	v5 =	vadd.f32 v6, v5;
	v3 =	vadd.f32 v3, v0  }
0xf7: {  	v6 =	vld [tilespmem:s9+$0xE0]  }
0xf8: {  	v7 =	vld [tilespmem:s11+$0xE0];
	v5 =	vadd.f32 v5, v0;
	[tilespmem:s17+$0xFFFFFF50] =	vst v3;
	v3 =	vadd.f32 v10, v8  }
0xf9: {  	v8 =	vld [tilespmem:s9+$0xFFFFFF60]  }
0xfa: {  	[tilespmem:s17+$0xFFFFFFD0] =	vst v5;
	v5 =	vld [tilespmem:s11+$0xFFFFFF60];
	v3 =	vadd.f32 v3, v0  }
0xfb: {  	v9 =	vld [tilespmem:s9+$0xFFFFFFE0]  }
0xfc: {  	[tilespmem:s17+$0x50] =	vst v3;
	v3 =	vld [tilespmem:s11+$0xFFFFFFE0]  }
0xfd: {  	v6 =	vadd.f32 v7, v6;
	v7 =	vld [tilespmem:s9+$0x60]  }
0xfe: {  	v10 =	vld [tilespmem:s11+$0x60]  }
0xff: {  	v6 =	vadd.f32 v6, v1;
	v5 =	vadd.f32 v5, v8;
	_ =	sdelay $0x1  }
0x100: {  	[tilespmem:s17+$0xE0] =	vst v6;
	v5 =	vadd.f32 v5, v1;
	v3 =	vadd.f32 v3, v9  }
0x101: {  	v6 =	vld [tilespmem:s9+$0xF0]  }
0x102: {  	v8 =	vld [tilespmem:s11+$0xF0];
	[tilespmem:s17+$0xFFFFFF60] =	vst v5;
	v5 =	vadd.f32 v10, v7;
	v3 =	vadd.f32 v3, v1  }
0x103: {  	v7 =	vld [tilespmem:s9+$0xFFFFFF70]  }
0x104: {  	v1 =	vadd.f32 v5, v1;
	[tilespmem:s17+$0xFFFFFFE0] =	vst v3;
	v3 =	vld [tilespmem:s11+$0xFFFFFF70]  }
0x105: {  	v5 =	vld [tilespmem:s9+$0xFFFFFFF0]  }
0x106: {  	[tilespmem:s17+$0x60] =	vst v1;
	v1 =	vld [tilespmem:s11+$0xFFFFFFF0]  }
0x107: {  	v9 =	vld [tilespmem:s9+$0x70]  }
0x108: {  	v10 =	vld [tilespmem:s11+$0x70]  }
0x109: {  	v2 =	vadd.f32 v4, v2  }
0x10a: {  	v4 =	vadd.f32 v8, v6  }
0x10b: {  	v2 =	vadd.f32 v2, v0;
	v3 =	vadd.f32 v3, v7  }
0x10c: {  	v4 =	vadd.f32 v4, v0;
	v1 =	vadd.f32 v1, v5  }
0x10d: {  	[tilespmem:s20+$0x70] =	vst v2;
	v2 =	vadd.f32 v3, v0;
	v3 =	vadd.f32 v10, v9  }
0x10e: {  	[tilespmem:s17+$0xF0] =	vst v4;
	v1 =	vadd.f32 v1, v0  }
0x10f: {  	[tilespmem:s17+$0xFFFFFF70] =	vst v2;
	v0 =	vadd.f32 v3, v0  }
0x110: {  	s20 =	sshll.u32 s19, $0x2;
	[tilespmem:s17+$0xFFFFFFF0] =	vst v1  }
0x111: {  	p0 =	seq.s32 s0, $0x18;
	s9 =	sadd.s32 s3, s20;
	[tilespmem:s17+$0x70] =	vst v0  }
0x112: {  	[hbm4b:s9+s4] =	stream.linear.scatter [tilespmem:s25], [sflag:$0x3], $0x4000, $0x38;
	[tilespmem:$0x1A100] =	vst v63  }
0x113: {  	s9 =	sadd.s32 @!p0 s15, s13;
	_ =	swait.ge [sflag:s26], $0x4000  }
0x114: {  	s9 =	sshrl.u32 @!p0 s9, $0x3;
	[sflag:s26] =	ssyncset.done $0x0  }
0x115: {  	s11 =	simm.s32 @!p0 $0x0;
	s10 =	sadd.s32 @!p0 s5, s9;
	[sflag:s26] =	ssyncadd.s32 $0xFFFFC000  }
0x116: {  	[tilespmem:s11], [sflag:$0x5] =	stream.linear.gather @!p0 [hbm4b:s10+s11], $0x200, $0x38;
	[tilespmem:$0x1A100] =	vst v63  }
0x117: {  	s10 =	simm.s32 @!p0 $0x5  }
0x118: {  	_ =	swait.ge @!p0 [sflag:s10], $0x200  }
0x119: {  	[sflag:s10] =	ssyncset.done @!p0 $0x0  }
0x11a: {  	s14 =	simm.s32 @!p0 $0x400;
	s9 =	sadd.s32 @!p0 s7, s9;
	[sflag:s10] =	ssyncadd.s32 @!p0 $0xFFFFFE00  }
0x11b: {  	[tilespmem:s14], [sflag:$0x5] =	stream.linear.gather @!p0 [hbm4b:s9+s11], $0x200, $0x38;
	[tilespmem:$0x1A100] =	vst v63  }
0x11c: {  	_ =	swait.ge @!p0 [sflag:s10], $0x200  }
0x11d: {  	[sflag:s10] =	ssyncset.done @!p0 $0x0  }
0x11e: {  	s9 =	simm.s32 @!p0 $0x200;
	[sflag:s10] =	ssyncadd.s32 @!p0 $0xFFFFFE00;
	s10 =	simm.s32 @!p0 $0x800  }
0x11f: {  	[tilespmem:s10], [sflag:$0x1] =	stream.indirect.gather @!p0 [hbm4b:s8+s9], $0x20, s11, s9, $0xb8;
	[tilespmem:$0x1A100] =	vst v63  }
0x120: {  	s10 =	simm.s32 @!p0 $0x8800  }
0x121: {  	[tilespmem:s10], [sflag:$0x1] =	stream.indirect.gather @!p0 [hbm4b:s1+s9], $0x20, s14, s9, $0xb8;
	[tilespmem:$0x1A100] =	vst v63  }
0x122: {  	_ =	swait.ge [sflag:s28], $0x4000  }
0x123: {  	[sflag:s28] =	ssyncset.done $0x0  }
0x124: {  	[sflag:s28] =	ssyncadd.s32 $0xFFFFC000  }
0x125: {  	_ =	swait.ge [sflag:s28], $0x4000  }
0x126: {  	s30 =	sshrl.u32 s2, $0x7;
	[sflag:s28] =	ssyncset.done $0x0  }
0x127: {  	s9 =	sand.u32 $0xFFFFE0, s30;
	[sflag:s28] =	ssyncadd.s32 $0xFFFFC000  }
0x128: {  	v0 =	vld [tilespmem:s9+$0x18800]  }
0x129: {  	v1 =	vld [tilespmem:s9+$0x18810];
	s9 =	simm.s32 $0x0  }
0x12a: {  	v2 =	vld [tilespmem:s9+$0x4800]  }
0x12b: {  	v3 =	vld [tilespmem:s9+$0xC800]  }
0x12c: {  	v4 =	vld [tilespmem:s9+$0x4810]  }
0x12d: {  	v5 =	vld [tilespmem:s9+$0xC810]  }
0x12e: {  	v6 =	vld [tilespmem:s9+$0x4820]  }
0x12f: {  	v7 =	vld [tilespmem:s9+$0xC820]  }
0x130: {  	v8 =	vld [tilespmem:s9+$0xC830]  }
0x131: {  	v9 =	vld [tilespmem:s9+$0x4840]  }
0x132: {  	v10 =	vld [tilespmem:s9+$0x49F0]  }
0x133: {  	v11 =	vld [tilespmem:s9+$0xC850]  }
0x134: {  	v12 =	vld [tilespmem:s9+$0xC9F0]  }
0x135: {  	v13 =	vld [tilespmem:s9+$0xC860]  }
0x136: {  	v14 =	vld [tilespmem:s9+$0x4880]  }
0x137: {  	v15 =	vld [tilespmem:s9+$0xC880]  }
0x138: {  	v16 =	vld [tilespmem:s9+$0x4890]  }
0x139: {  	v17 =	vld [tilespmem:s9+$0xC890]  }
0x13a: {  	v18 =	vld [tilespmem:s9+$0x48A0]  }
0x13b: {  	v45 =	vld [tilespmem:s9+$0x48B0]  }
0x13c: {  	v19 =	vld [tilespmem:s9+$0xC8B0]  }
0x13d: {  	v20 =	vld [tilespmem:s9+$0x48C0]  }
0x13e: {  	v46 =	vld [tilespmem:s9+$0xC8C0]  }
0x13f: {  	v47 =	vld [tilespmem:s9+$0x4870]  }
0x140: {  	v48 =	vld [tilespmem:s9+$0x48D0]  }
0x141: {  	v21 =	vld [tilespmem:s9+$0xC8D0]  }
0x142: {  	v22 =	vld [tilespmem:s9+$0xC870]  }
0x143: {  	v23 =	vld [tilespmem:s9+$0x4900]  }
0x144: {  	v24 =	vld [tilespmem:s9+$0xC900]  }
0x145: {  	v25 =	vld [tilespmem:s9+$0x4910]  }
0x146: {  	v26 =	vld [tilespmem:s9+$0xC910]  }
0x147: {  	v27 =	vld [tilespmem:s9+$0x4920]  }
0x148: {  	v28 =	vld [tilespmem:s9+$0xC920]  }
0x149: {  	v49 =	vld [tilespmem:s9+$0x4930]  }
0x14a: {  	v29 =	vld [tilespmem:s9+$0xC930];
	v2 =	vadd.f32 v3, v2  }
0x14b: {  	v4 =	vadd.f32 v5, v4;
	v6 =	vadd.f32 v7, v6;
	v7 =	vld [tilespmem:s9+$0xC8A0]  }
0x14c: {  	v3 =	vld [tilespmem:s9+$0x4830];
	v14 =	vadd.f32 v15, v14;
	v2 =	vadd.f32 v2, v0  }
0x14d: {  	v51 =	vld [tilespmem:s9+$0x4940];
	v23 =	vadd.f32 v24, v23;
	v6 =	vadd.f32 v6, v0  }
0x14e: {  	v5 =	vld [tilespmem:s9+$0xC840];
	v10 =	vadd.f32 v12, v10;
	v14 =	vadd.f32 v14, v0;
	[tilespmem:s9+$0x14800] =	vst v2  }
0x14f: {  	v52 =	vld [tilespmem:s9+$0xC940];
	v50 =	vadd.f32 v23, v0;
	v2 =	vadd.f32 v4, v1;
	[tilespmem:s9+$0x14820] =	vst v6  }
0x150: {  	v4 =	vld [tilespmem:s9+$0x4850];
	v6 =	vadd.f32 v17, v16;
	[tilespmem:s9+$0x14880] =	vst v14;
	v7 =	vadd.f32 v7, v18  }
0x151: {  	v53 =	vld [tilespmem:s9+$0xC8E0];
	[tilespmem:s9+$0x14900] =	vst v50;
	v3 =	vadd.f32 v8, v3;
	v8 =	vadd.f32 v10, v1  }
0x152: {  	v55 =	vld [tilespmem:s9+$0x4950];
	v25 =	vadd.f32 v26, v25;
	[tilespmem:s9+$0x14810] =	vst v2;
	v7 =	vadd.f32 v7, v0  }
0x153: {  	v5 =	vadd.f32 v5, v9;
	v2 =	vld [tilespmem:s9+$0x4860];
	v6 =	vadd.f32 v6, v1;
	[tilespmem:s9+$0x149F0] =	vst v8  }
0x154: {  	v9 =	vld [tilespmem:s9+$0x4960];
	v3 =	vadd.f32 v3, v1;
	[tilespmem:s9+$0x148A0] =	vst v7;
	v7 =	vadd.f32 v28, v27  }
0x155: {  	v8 =	vld [tilespmem:s9+$0xC960];
	v5 =	vadd.f32 v5, v0;
	[tilespmem:s9+$0x14890] =	vst v6;
	v4 =	vadd.f32 v11, v4  }
0x156: {  	v54 =	vadd.f32 v25, v1;
	v6 =	vld [tilespmem:s9+$0x48E0];
	[tilespmem:s9+$0x14830] =	vst v3;
	v7 =	vadd.f32 v7, v0  }
0x157: {  	v56 =	vld [tilespmem:s9+$0xC950];
	[tilespmem:s9+$0x14840] =	vst v5;
	v3 =	vadd.f32 v4, v1;
	v4 =	vadd.f32 v22, v47  }
0x158: {  	v10 =	vld [tilespmem:s9+$0x48F0];
	v5 =	vadd.f32 v19, v45;
	v2 =	vadd.f32 v13, v2;
	[tilespmem:s9+$0x14920] =	vst v7  }
0x159: {  	v7 =	vld [tilespmem:s9+$0xC8F0];
	[tilespmem:s9+$0x14850] =	vst v3;
	v3 =	vadd.f32 v4, v1;
	v4 =	vadd.f32 v46, v20  }
0x15a: {  	v57 =	vld [tilespmem:s9+$0xC970];
	[tilespmem:s9+$0x14910] =	vst v54;
	v8 =	vadd.f32 v8, v9;
	v2 =	vadd.f32 v2, v0  }
0x15b: {  	v58 =	vld [tilespmem:s9+$0x4980];
	[tilespmem:s9+$0x14870] =	vst v3;
	v3 =	vadd.f32 v4, v0;
	v4 =	vadd.f32 v53, v6  }
0x15c: {  	v59 =	vld [tilespmem:s9+$0xC980];
	[tilespmem:s9+$0x14860] =	vst v2;
	v2 =	vadd.f32 v5, v1;
	v5 =	vadd.f32 v21, v48  }
0x15d: {  	v6 =	vld [tilespmem:s9+$0x4990];
	[tilespmem:s9+$0x148C0] =	vst v3;
	v3 =	vadd.f32 v4, v0;
	v4 =	vadd.f32 v29, v49  }
0x15e: {  	[tilespmem:s9+$0x148B0] =	vst v2;
	v2 =	vadd.f32 v5, v1;
	v5 =	vadd.f32 v7, v10;
	v7 =	vld [tilespmem:s9+$0xC990]  }
0x15f: {  	v11 =	vld [tilespmem:s9+$0x4970];
	v8 =	vadd.f32 v8, v0;
	[tilespmem:s9+$0x148E0] =	vst v3;
	v3 =	vadd.f32 v4, v1  }
0x160: {  	v60 =	vld [tilespmem:s9+$0xC9A0];
	[tilespmem:s9+$0x148D0] =	vst v2;
	v2 =	vadd.f32 v5, v1;
	v5 =	vadd.f32 v52, v51  }
0x161: {  	[tilespmem:s9+$0x14960] =	vst v8;
	v10 =	vld [tilespmem:s9+$0x49A0];
	v4 =	vadd.f32 v59, v58  }
0x162: {  	v61 =	vld [tilespmem:s9+$0x49B0];
	v62 =	vadd.f32 v56, v55;
	[tilespmem:s9+$0x14930] =	vst v3;
	v5 =	vadd.f32 v5, v0  }
0x163: {  	v63 =	vld [tilespmem:s9+$0xC9B0];
	v4 =	vadd.f32 v4, v0;
	[tilespmem:s9+$0x148F0] =	vst v2;
	v6 =	vadd.f32 v7, v6  }
0x164: {  	v3 =	vld [tilespmem:s9+$0xC9C0];
	v7 =	vadd.f32 v57, v11;
	[tilespmem:s9+$0x14940] =	vst v5;
	v5 =	vadd.f32 v62, v1  }
0x165: {  	v2 =	vld [tilespmem:s9+$0x49C0];
	[tilespmem:s9+$0x14980] =	vst v4;
	v6 =	vadd.f32 v6, v1  }
0x166: {  	v4 =	vld [tilespmem:s9+$0x49D0];
	v8 =	vadd.f32 v60, v10;
	v7 =	vadd.f32 v7, v1;
	[tilespmem:s9+$0x14950] =	vst v5  }
0x167: {  	v5 =	vld [tilespmem:s9+$0xC9D0];
	[tilespmem:s9+$0x14990] =	vst v6  }
0x168: {  	s11 =	simm.s32 $0x800;
	s10 =	simm.s32 $0x0;
	[tilespmem:s9+$0x14970] =	vst v7;
	v7 =	vadd.f32 v8, v0;
	v8 =	vadd.f32 v63, v61;
	v6 =	vld [tilespmem:s9+$0x49E0]  }
.LBB2_5:
0x169: {  	s14 =	sshra.s32 s11, $0x2;
	v9 =	vld [tilespmem:s9+$0xC9E0]  }
0x16a: {  	s10 =	sadd.s32 $0x4, s10;
	v10 =	vld [tilespmem:s14+$0x49F0];
	[tilespmem:s9+$0x149A0] =	vst v7;
	v7 =	vadd.f32 v8, v1;
	v2 =	vadd.f32 v3, v2  }
0x16b: {  	p0 =	slt.u32 s10, $0x7C;
	v3 =	vld [tilespmem:s14+$0xC9F0]  }
0x16c: {  	v8 =	vld [tilespmem:s14+$0x4800];
	[tilespmem:s9+$0x149B0] =	vst v7;
	v2 =	vadd.f32 v2, v0;
	v4 =	vadd.f32 v5, v4  }
0x16d: {  	v5 =	vld [tilespmem:s14+$0xC800]  }
0x16e: {  	v7 =	vld [tilespmem:s14+$0x4810];
	[tilespmem:s9+$0x149C0] =	vst v2;
	v2 =	vadd.f32 v4, v1;
	v4 =	vadd.f32 v9, v6  }
0x16f: {  	v6 =	vld [tilespmem:s14+$0xC810]  }
0x170: {  	v9 =	vld [tilespmem:s14+$0x4820];
	v3 =	vadd.f32 v3, v10;
	[tilespmem:s9+$0x149D0] =	vst v2;
	v2 =	vadd.f32 v4, v0  }
0x171: {  	v4 =	vld [tilespmem:s14+$0xC820]  }
0x172: {  	v5 =	vadd.f32 v5, v8;
	v8 =	vld [tilespmem:s14+$0x4830];
	v3 =	vadd.f32 v3, v1;
	[tilespmem:s9+$0x149E0] =	vst v2;
	s9 =	smov.u32 s14  }
0x173: {  	v2 =	vld [tilespmem:s9+$0xC830]  }
0x174: {  	v5 =	vadd.f32 v5, v0;
	v6 =	vadd.f32 v6, v7;
	v7 =	vld [tilespmem:s9+$0x4840];
	[tilespmem:s9+$0x149F0] =	vst v3  }
0x175: {  	v3 =	vld [tilespmem:s9+$0xC840]  }
0x176: {  	[tilespmem:s9+$0x14800] =	vst v5;
	v5 =	vadd.f32 v6, v1;
	v4 =	vadd.f32 v4, v9;
	v6 =	vld [tilespmem:s9+$0x4850]  }
0x177: {  	v9 =	vld [tilespmem:s9+$0xC850]  }
0x178: {  	[tilespmem:s9+$0x14810] =	vst v5;
	v4 =	vadd.f32 v4, v0;
	v2 =	vadd.f32 v2, v8;
	v5 =	vld [tilespmem:s9+$0x4860]  }
0x179: {  	v8 =	vld [tilespmem:s9+$0xC860]  }
0x17a: {  	[tilespmem:s9+$0x14820] =	vst v4;
	v2 =	vadd.f32 v2, v1;
	v3 =	vadd.f32 v3, v7;
	v4 =	vld [tilespmem:s9+$0x4870]  }
0x17b: {  	v7 =	vld [tilespmem:s9+$0xC870]  }
0x17c: {  	[tilespmem:s9+$0x14830] =	vst v2;
	v2 =	vadd.f32 v3, v0;
	v3 =	vadd.f32 v9, v6;
	v6 =	vld [tilespmem:s9+$0x4880]  }
0x17d: {  	v9 =	vld [tilespmem:s9+$0xC880]  }
0x17e: {  	[tilespmem:s9+$0x14840] =	vst v2;
	v2 =	vadd.f32 v3, v1;
	v3 =	vadd.f32 v8, v5;
	v5 =	vld [tilespmem:s9+$0x4890]  }
0x17f: {  	v8 =	vld [tilespmem:s9+$0xC890]  }
0x180: {  	[tilespmem:s9+$0x14850] =	vst v2;
	v2 =	vadd.f32 v3, v0;
	v3 =	vadd.f32 v7, v4;
	v4 =	vld [tilespmem:s9+$0x48A0]  }
0x181: {  	v7 =	vld [tilespmem:s9+$0xC8A0]  }
0x182: {  	[tilespmem:s9+$0x14860] =	vst v2;
	v2 =	vadd.f32 v3, v1;
	v3 =	vadd.f32 v9, v6;
	v6 =	vld [tilespmem:s9+$0x48B0]  }
0x183: {  	v9 =	vld [tilespmem:s9+$0xC8B0]  }
0x184: {  	[tilespmem:s9+$0x14870] =	vst v2;
	v2 =	vadd.f32 v3, v0;
	v3 =	vadd.f32 v8, v5;
	v5 =	vld [tilespmem:s9+$0x48C0]  }
0x185: {  	v8 =	vld [tilespmem:s9+$0xC8C0]  }
0x186: {  	[tilespmem:s9+$0x14880] =	vst v2;
	v2 =	vadd.f32 v3, v1;
	v3 =	vadd.f32 v7, v4;
	v4 =	vld [tilespmem:s9+$0x48D0]  }
0x187: {  	v7 =	vld [tilespmem:s9+$0xC8D0]  }
0x188: {  	[tilespmem:s9+$0x14890] =	vst v2;
	v2 =	vadd.f32 v3, v0;
	v3 =	vadd.f32 v9, v6;
	v6 =	vld [tilespmem:s9+$0x48E0]  }
0x189: {  	v9 =	vld [tilespmem:s9+$0xC8E0]  }
0x18a: {  	[tilespmem:s9+$0x148A0] =	vst v2;
	v2 =	vadd.f32 v3, v1;
	v3 =	vadd.f32 v8, v5;
	v5 =	vld [tilespmem:s9+$0x48F0]  }
0x18b: {  	v8 =	vld [tilespmem:s9+$0xC8F0]  }
0x18c: {  	[tilespmem:s9+$0x148B0] =	vst v2;
	v2 =	vadd.f32 v3, v0;
	v3 =	vadd.f32 v7, v4;
	v4 =	vld [tilespmem:s9+$0x4900]  }
0x18d: {  	v7 =	vld [tilespmem:s9+$0xC900]  }
0x18e: {  	[tilespmem:s9+$0x148C0] =	vst v2;
	v2 =	vadd.f32 v3, v1;
	v3 =	vadd.f32 v9, v6;
	v6 =	vld [tilespmem:s9+$0x4910]  }
0x18f: {  	v9 =	vld [tilespmem:s9+$0xC910]  }
0x190: {  	[tilespmem:s9+$0x148D0] =	vst v2;
	v2 =	vadd.f32 v3, v0;
	v3 =	vadd.f32 v8, v5;
	v5 =	vld [tilespmem:s9+$0x4920]  }
0x191: {  	v8 =	vld [tilespmem:s9+$0xC920]  }
0x192: {  	[tilespmem:s9+$0x148E0] =	vst v2;
	v2 =	vadd.f32 v3, v1;
	v3 =	vadd.f32 v7, v4;
	v4 =	vld [tilespmem:s9+$0x4930]  }
0x193: {  	v7 =	vld [tilespmem:s9+$0xC930]  }
0x194: {  	[tilespmem:s9+$0x148F0] =	vst v2;
	v2 =	vadd.f32 v3, v0;
	v3 =	vadd.f32 v9, v6;
	v6 =	vld [tilespmem:s9+$0x4940]  }
0x195: {  	v9 =	vld [tilespmem:s9+$0xC940]  }
0x196: {  	[tilespmem:s9+$0x14900] =	vst v2;
	v2 =	vadd.f32 v3, v1;
	v3 =	vadd.f32 v8, v5;
	v5 =	vld [tilespmem:s9+$0x4950]  }
0x197: {  	v8 =	vld [tilespmem:s9+$0xC950]  }
0x198: {  	[tilespmem:s9+$0x14910] =	vst v2;
	v2 =	vadd.f32 v3, v0;
	v3 =	vadd.f32 v7, v4;
	v4 =	vld [tilespmem:s9+$0x4960]  }
0x199: {  	v7 =	vld [tilespmem:s9+$0xC960]  }
0x19a: {  	[tilespmem:s9+$0x14920] =	vst v2;
	v2 =	vadd.f32 v3, v1;
	v3 =	vadd.f32 v9, v6;
	v6 =	vld [tilespmem:s9+$0x4970]  }
0x19b: {  	v9 =	vld [tilespmem:s9+$0xC970]  }
0x19c: {  	[tilespmem:s9+$0x14930] =	vst v2;
	v2 =	vadd.f32 v3, v0;
	v3 =	vadd.f32 v8, v5;
	v5 =	vld [tilespmem:s9+$0x4980]  }
0x19d: {  	v8 =	vld [tilespmem:s9+$0xC980]  }
0x19e: {  	[tilespmem:s9+$0x14940] =	vst v2;
	v2 =	vadd.f32 v3, v1;
	v3 =	vadd.f32 v7, v4;
	v4 =	vld [tilespmem:s9+$0x4990]  }
0x19f: {  	v7 =	vld [tilespmem:s9+$0xC990]  }
0x1a0: {  	[tilespmem:s9+$0x14950] =	vst v2;
	v2 =	vadd.f32 v3, v0;
	v3 =	vadd.f32 v9, v6;
	v6 =	vld [tilespmem:s9+$0x49A0]  }
0x1a1: {  	v9 =	vld [tilespmem:s9+$0xC9A0]  }
0x1a2: {  	[tilespmem:s9+$0x14960] =	vst v2;
	v2 =	vadd.f32 v3, v1;
	v3 =	vadd.f32 v8, v5;
	v8 =	vld [tilespmem:s9+$0x49B0]  }
0x1a3: {  	v10 =	vld [tilespmem:s9+$0xC9B0]  }
.Ltmp1:
0x1a4: {  	[tilespmem:s9+$0x14970] =	vst v2;
	v5 =	vadd.f32 v3, v0;
	v4 =	vadd.f32 v7, v4;
	v2 =	vld [tilespmem:s9+$0x49C0];
	(pc) =	sbr.rel @p0 .LBB2_5-.Ltmp1, $4  }
0x1a5: {  	v3 =	vld [tilespmem:s9+$0xC9C0]  }
0x1a6: {  	[tilespmem:s9+$0x14980] =	vst v5;
	v7 =	vadd.f32 v4, v1;
	v6 =	vadd.f32 v9, v6;
	v4 =	vld [tilespmem:s9+$0x49D0]  }
0x1a7: {  	v5 =	vld [tilespmem:s9+$0xC9D0]  }
0x1a8: {  	s11 =	sadd.s32 $0x800, s11;
	[tilespmem:s9+$0x14990] =	vst v7;
	v7 =	vadd.f32 v6, v0;
	v8 =	vadd.f32 v10, v8;
	v6 =	vld [tilespmem:s9+$0x49E0]  }
0x1a9: {  	v9 =	vld [tilespmem:s9+$0xC9E0];
	_ =	sdelay $0x2  }
0x1aa: {  	v2 =	vadd.f32 v3, v2  }
0x1ab: {  	s0 =	sadd.s32 $0x1, s0;
	v60 =	vadd.f32 v8, v1;
	v4 =	vadd.f32 v5, v4  }
0x1ac: {  	[tilespmem:s9+$0x149A0] =	vst v7;
	p0 =	sne.s32 s0, $0x19;
	v2 =	vadd.f32 v2, v0;
	v61 =	vadd.f32 v9, v6  }
.Ltmp2:
0x1ad: {  	[tilespmem:s9+$0x149B0] =	vst v60;
	v62 =	vadd.f32 v4, v1;
	(pc) =	sbr.rel @p0 .LBB2_2-.Ltmp2, $4  }
0x1ae: {  	s2 =	sshll.u32 s2, $0x2;
	[tilespmem:s9+$0x149C0] =	vst v2;
	v63 =	vadd.f32 v61, v0  }
0x1af: {  	s2 =	sand.u32 $0x1FFFF800, s2;
	[tilespmem:s9+$0x149D0] =	vst v62  }
0x1b0: {  	s2 =	sadd.s32 s3, s2;
	[tilespmem:s9+$0x149E0] =	vst v63  }
0x1b1: {  	[hbm4b:s2+s4] =	stream.linear.scatter [tilespmem:s29], [sflag:$0x4], $0x4000, $0x38;
	[tilespmem:$0x1A100] =	vst v63  }
0x1b2: {  	s2 =	simm.s32 $0x4  }
0x1b3: {  	_ =	swait.ge [sflag:s2], $0x4000  }
0x1b4: {  	s31 =	sadd.s32 $0x1, s31;
	s0 =	rddreg [dreg:$0x7]  }
0x1b5: {  	p0 =	sne.s32 s31, s0  }
.Ltmp3:
0x1b6: {  	_ = 	snop;
	(pc) =	sbr.rel @p0 .LBB2_1-.Ltmp3, $3  }
0x1b7: {  	_ =	sdelay $0x1  }
0x1b8: {  	[sflag:s2] =	ssyncset.done $0x0  }
0x1b9: {  	[sflag:s2] =	ssyncadd.s32 $0xFFFFC000  }
0x1ba: {  	_ =	sfence.sel $0x180000  }
0x1bb: {  	[bflag:$0x0] =	sbarrier.arrive $0xFFFF  }
0x1bc: {  	_ =	strace $0x90000047  }
0x1bd: {  	s0 =	stileid.u32;
	[bflag:$0x2] =	sbarrier.arrive $0xFFFF  }
0x1be: {  	p0 =	sne.s32 s0, $0x0;
	s0 =	rddreg [dreg:$0x3]  }
0x1bf: {  	s0 =	sadd.s32 @!p0 $0x100000, s0  }
0x1c0: {  	[sflag:s0] =	ssyncadd.tile.s32 @!p0 $0x1;
	_ =	shalt  }
.Lfunc_end2:
_tile_overlayer_lowered:
.L_overlay_start_2:
0x1c1: {  	(tag) =	ssettag $0x2  }
0x1c2: {  	s0 =	rddreg [dreg:$0x0];
	s2 =	stileid.u32  }
0x1c3: {  	s1 =	rddreg [dreg:$0x1];
	p0 =	sne.s32 s2, $0x0  }
0x1c4: {  	s3 =	rddreg [dreg:$0x2];
	[bflag:$0x3] =	sbarrier.arrive $0xFFFF;
	s2 =	simm.s32 @!p0 $0x1C05  }
0x1c5: {  	[timem:s3], [sflag:s2] =	dma.local @!p0 [hbm:s0], s1  }
0x1c6: {  	s0 =	simm.s32 @!p0 $0x5  }
0x1c7: {  	_ =	swait.ge @!p0 [sflag:s0], s1  }
0x1c8: {  	s1 =	ssub.s32 @!p0 $0x0, s1;
	[sflag:s0] =	ssyncset.done @!p0 $0x0  }
0x1c9: {  	[sflag:s0] =	ssyncadd.s32 @!p0 s1  }
0x1ca: {  	[bflag:$0x3] =	sbarrier.arrive $0xFFFF  }
0x1cb: {  	_ =	shalt  }

// kernel: sparse-core-data-format-call.cloned.1.call-start
scs
called_computation_lowered:
.L_overlay_start_0:
0x0: {  	s2 =	sld [smem:$0x3FD9]  }
0x1: {  	s3 =	sld [smem:$0x3FFE];
	_ =	sdelay $0x1  }
0x2: {  	s1 =	srdreg.scid  }
0x3: {  	s0 =	sand.u32 $0x1, s1  }
0x4: {  	s15 =	sshll.u32 s0, $0xA;
	s2 =	sadd.s32 s3, s2  }
0x5: {  	s2 =	sadd.s32 s2, s15  }
0x6: {  	[smem:$0x3FC2] =	sst s2  }
0x7: {  	_ = 	snop  }
0x8: {  	s2 =	sld [smem:$0x3FD0];
	_ =	sdelay $0x2  }
0x9: {  	s16 =	simm.s32 $0xA;
	s4 =	simm.s32 $0x10  }
0xa: {  	[smem:s4], [sflag:s16] =	dma.local [hbm:s2], $0x1  }
0xb: {  	_ =	swait.eq [sflag:s16], $0x1  }
0xc: {  	[sflag:s16] =	ssyncset.done $0x0  }
0xd: {  	[sflag:s16] =	ssyncadd.s32 $0xFFFFFFFF  }
0xe: {  	s17 =	sld [smem:$0x10];
	(tm) =	ssettm $0x1  }
0xf: {  	s18 =	sld [smem:$0x3FFB];
	_ =	sdelay $0x3  }
0x10: {  	_ =	strace s18  }
0x11: {  	s3 =	sld [smem:$0x3FFC];
	_ =	sdelay $0x3  }
0x12: {  	_ =	strace s3  }
0x13: {  	s3 =	sld [smem:$0x3FFD];
	_ =	sdelay $0x3  }
0x14: {  	_ =	strace s3  }
0x15: {  	_ =	strace $0x8FFFFFFF  }
0x16: {  	s19 =	sld [smem:$0x3FDB];
	_ =	sdelay $0x1  }
0x17: {  	s20 =	simm.s32 $_scs_section_size  }
0x18: {  	s5 =	simm.s32 $_size__tile_overlayer_lowered;
	s6 =	simm.s32 $_tile_overlayer_lowered  }
0x19: {  	s23 =	simm.s32 $0x1BFF;
	s22 =	sshll.u32 s6, $0x1;
	s3 =	sadd.s32 s20, s19  }
0x1a: {  	s7 =	simm.s32 $0x0;
	s21 =	sshll.u32 s5, $0x1;
	s5 =	sadd.s32 s22, s3  }
0x1b: {  	[timem:s7], [sflag:s23] =	dma.local [hbm:s5], s21  }
0x1c: {  	_ =	swait.ge [sflag:s23], s21  }
0x1d: {  	s4 =	ssub.s32 $0x0, s21;
	[sflag:s23] =	ssyncset.done $0x0  }
0x1e: {  	[sflag:s23] =	ssyncadd.s32 s4;
	_ =	sdelay $0x1  }
0x1f: {  	s24 =	simm.s32 $0x1B8B  }
0x20: {  	_ =	swait.ge [sflag:s24], $0x1  }
0x21: {  	[sflag:s24] =	ssyncset.done $0x0  }
0x22: {  	s26 =	simm.s32 $0x1B8E;
	s25 =	sld [smem:$0x3FFE];
	[sflag:s24] =	ssyncadd.s32 $0xFFFFFFFF  }
0x23: {  	s27 =	simm.s32 $execute0_lowered;
	[smem:$0x3FD2] =	sst s26  }
0x24: {  	s5 =	sshll.u32 s27, $0x1;
	_ =	strace $0x80000049;
	[dreg:$0x1] =	wrdreg $0xFFFFFFFF  }
0x25: {  	s28 =	simm.s32 $_size_execute0_lowered;
	s3 =	sadd.s32 s3, s5;
	[dreg:$0x0] =	wrdreg $0x0  }
0x26: {  	s5 =	sshll.u32 s28, $0x1;
	[dreg:$0x2] =	wrdreg s3  }
0x27: {  	[dreg:$0x3] =	wrdreg s5  }
0x28: {  	[dreg:$0x4] =	wrdreg $0xC0  }
0x29: {  	_ =	task [dreg:s7], $0x5FFFF  }
0x2a: {  	[dreg:$0x1] =	wrdreg $0xFFFFFFFF  }
0x2b: {  	[dreg:$0x0] =	wrdreg $0x60  }
0x2c: {  	[dreg:$0x2] =	wrdreg s25  }
0x2d: {  	[dreg:$0x3] =	wrdreg s17  }
0x2e: {  	[dreg:$0x4] =	wrdreg $0x9  }
0x2f: {  	_ =	task.clear_ibuf [dreg:s7], $0x5FFFF;
	_ =	strace $0x90000049  }
0x30: {  	s29 =	simm.s32 $0x9;
	_ =	strace $0x8000004B  }
0x31: {  	_ =	swait.ge [sflag:s29], $0x1  }
0x32: {  	[sflag:s29] =	ssyncadd.s32 $0xFFFFFFFF  }
0x33: {  	_ =	strace $0x9000004B  }
0x34: {  	_ =	sfence  }
0x35: {  	s30 =	sld [smem:$0x0];
	_ =	sdelay $0x2  }
0x36: {  	s31 =	sshll.u32 s1, $0xD;
	s1 =	sshrl.u32 s1, $0x2  }
0x37: {  	s3 =	sand.u32 $0x4000, s31;
	s1 =	sadd.s32 s1, s30  }
0x38: {  	s0 =	sor.u32 s3, s0;
	s1 =	sshll.u32 s1, $0x11  }
0x39: {  	s0 =	sor.u32 s1, s0  }
0x3a: {  	s0 =	sadd.s32 $0x8F2B, s0  }
0x3b: {  	[sflag:s0] =	ssyncadd.remote.s32 $0x1  }
0x3c: {  	_ =	sfence.sel $0xFFFF  }
0x3d: {  	[dreg:$0x0] =	wrdreg $0xFFFFFFFF;
	(pc) =	sbr.abs _section_cstart, $3  }
0x3e: {  	[dreg:$0x1] =	wrdreg $0xFFFFFFFF  }
0x3f: {  	_ =	task.clear_ibuf [dreg:s7], $0x2FFFF;
	_ =	strace $0x9FFFFFFF  }
0x40: {  	(tm) =	ssettm $0x7FFFFFFF  }
0x41: {  	_ =	shalt  }
tec
execute0_lowered:
.L_overlay_start_1:
0x0: {  	(tag) =	ssettag $0x1  }
0x1: {  	s0 =	srdreg.scid;
	s5 =	rddreg [dreg:$0x0]  }
0x2: {  	s2 =	rddreg [dreg:$0x1];
	s1 =	sshll.u32 s0, $0x4  }
0x3: {  	s9 =	simm.s32 $0x2;
	s0 =	stileid.u32;
	s1 =	sand.u32 $0x10, s1  }
0x4: {  	s15 =	simm.s32 $0x0;
	s11 =	simm.s32 $0x400;
	s4 =	sor.u32 s0, s1  }
0x5: {  	s12 =	simm.s32 $0x8000;
	s16 =	simm.s32 $0x0;
	s3 =	sshll.u32 s4, $0x7  }
0x6: {  	s13 =	simm.s32 $0x0;
	s1 =	rddreg [dreg:$0x2];
	s6 =	ssub.s32 $0x1000, s3  }
0x7: {  	_ =	strace $0x8000004A;
	s8 =	sshll.u32 s4, $0xB;
	s7 =	sand.u32 $0xF80, s6  }
0x8: {  	s4 =	simm.s32 $0x1;
	p0 =	sne.s32 s7, $0x0;
	s7 =	simm.s32 $0x1  }
.Ltmp0:
0x9: {  	s6 =	sshrl.u32 s6, $0xC;
	s7 =	simm.s32 @!p0 $0x0;
	(pc) =	sbr.rel .LBB1_1-.Ltmp0, $4  }
0xa: {  	s14 =	simm.s32 $0x0;
	[sflag:s4] =	ssyncpa.u1 $0x0;
	s6 =	sadd.s32 s7, s6  }
0xb: {  	s10 =	sadd.s32 s8, s5;
	[sflag:s9] =	ssyncpa.u1 $0x0;
	s5 =	smul.u32 $0x32, s6  }
0xc: {  	s8 =	sadd.s32 $0x21200, s10;
	s9 =	sadd.s32 $0x31200, s10;
	p0 =	por $0x0, $0x0  }
0xd: {  	s7 =	sadd.s32 $0x11200, s10;
	s6 =	sadd.s32 $0x1200, s10;
	s10 =	sor.u32 $0x1, s5  }
.LBB1_7:
0xe: {  	s17 =	sadd.s32 $0x4, s13  }
0xf: {  	p2 =	sgt.s32 s17, $0xC7  }
0x10: {  	s17 =	simm.s32 @p2 $0x0;
	p2 =	sne.s32 s14, s10  }
.Ltmp1:
0x11: {  	p1 =	slt.u32 s14, $0x2;
	(pc) =	sbr.rel @!p2 .LBB1_8-.Ltmp1, $4  }
0x12: {  	s15 =	simm.s32 @!p1 $0x2  }
0x13: {  	s18 =	sadd.s32 $0x1, s14;
	s16 =	smov.u32 s13;
	_ =	swait.ge @!p1 [sflag:s15], $0x4000  }
0x14: {  	p0 =	por !p0, !p0;
	s14 =	smov.u32 s18;
	[sflag:s15] =	ssyncset.done @!p1 $0x0  }
0x15: {  	s13 =	smov.u32 s17;
	[sflag:s15] =	ssyncadd.s32 @!p1 $0xFFFFC000;
	s15 =	smov.u32 s3  }
.LBB1_1:
0x16: {  	p1 =	sge.u32 s14, s5  }
0x17: {  	s17 =	sxor.u32 @!p1 $0xFFFFFFFF, s14  }
0x18: {  	s18 =	sshll.u32 @!p1 s13, $0x10;
	s20 =	simm.s32 @!p1 $0x20;
	s17 =	sshll.u32 @!p1 s17, $0xE  }
0x19: {  	s21 =	simm.s32 @!p1 $0x80;
	s19 =	sadd.s32 @!p1 s18, s6;
	s17 =	sand.u32 @!p1 $0x4000, s17  }
0x1a: {  	[tilespmem:s17], [sflag:$0x1] =	stream.strided.gather @!p1 [hbm4b:s19+s20], $0x1000, s21, s20, $0x38;
	[tilespmem:$0x10100] =	vst v63  }
0x1b: {  	s19 =	sadd.s32 @!p1 s18, s7;
	s22 =	sor.u32 @!p1 $0x1000, s17  }
0x1c: {  	[tilespmem:s22], [sflag:$0x1] =	stream.strided.gather @!p1 [hbm4b:s19+s20], $0x1000, s21, s20, $0x38;
	[tilespmem:$0x10100] =	vst v63  }
0x1d: {  	s19 =	sadd.s32 @!p1 s18, s8;
	s22 =	sor.u32 @!p1 $0x2000, s17  }
0x1e: {  	[tilespmem:s22], [sflag:$0x1] =	stream.strided.gather @!p1 [hbm4b:s19+s20], $0x1000, s21, s20, $0x38;
	[tilespmem:$0x10100] =	vst v63  }
0x1f: {  	s31 =	sadd.s32 $0xFFFFFFFF, s14;
	s18 =	sadd.s32 @!p1 s18, s9;
	s17 =	sor.u32 @!p1 $0x3000, s17  }
0x20: {  	[tilespmem:s17], [sflag:$0x1] =	stream.strided.gather @!p1 [hbm4b:s18+s20], $0x1000, s21, s20, $0x38;
	[tilespmem:$0x10100] =	vst v63  }
0x21: {  	p1 =	sge.u32 s31, s5  }
.Ltmp2:
0x22: {  	_ = 	snop;
	(pc) =	sbr.rel @p1 .LBB1_7-.Ltmp2, $1  }
0x23: {  	_ =	sdelay $0x3  }
0x24: {  	s18 =	simm.s32 $0x1;
	s19 =	sand.u32 $0x1, s14  }
0x25: {  	_ =	swait.ge [sflag:s4], $0x4000;
	s18 =	simm.s32 @!p0 $0x0;
	s20 =	smul.u32 $0x10200, s19  }
0x26: {  	[sflag:s4] =	ssyncset.done $0x0;
	s17 =	smul.u32 $0x10200, s18  }
0x27: {  	s18 =	sshll.u32 s18, $0xE;
	[sflag:s4] =	ssyncadd.s32 $0xFFFFC000  }
0x28: {  	s19 =	sor.u32 $0x10, s18;
	s31 =	sshrl.u32 s20, $0x2;
	s17 =	sshrl.u32 s17, $0x2  }
0x29: {  	s20 =	simm.s32 $0x0;
	s18 =	sor.u32 $0x8000, s31;
	s17 =	sor.u32 $0x8000, s17  }
.LBB1_3:
0x2a: {  	v1 =	vld [tilespmem:s19+$0x0]  }
0x2b: {  	v0 =	vld [tilespmem:s19+$0xFFFFFFF0];
	_ =	sdelay $0x2  }
0x2c: {  	s23 =	sadd.s32 $0x0, s17  }
0x2d: {  	s21 =	simm.s32 $0x4;
	s22 =	sadd.s32 $0x20, s19;
	[tilespmem:s23+$0x810 ss:$0x81] =	vst.msk $0xffff, v1  }
.LBB1_4:
0x2e: {  	v1 =	vld [tilespmem:s22+$0x0];
	p1 =	sne.s32 s21, $0x1FC;
	[tilespmem:s23+$0x0 ss:$0x81] =	vst.msk $0xffff, v0;
	s23 =	smov.u32 s21;
	s21 =	sadd.s32 $0x4, s21  }
.Ltmp3:
0x2f: {  	v0 =	vld [tilespmem:s22+$0xFFFFFFF0];
	(pc) =	sbr.rel @p1 .LBB1_4-.Ltmp3, $4  }
0x30: {  	_ = 	snop  }
0x31: {  	s23 =	sshra.s32 s23, $0x2  }
0x32: {  	s23 =	sadd.s32 s23, s17  }
0x33: {  	s22 =	sadd.s32 $0x20, s22;
	[tilespmem:s23+$0x810 ss:$0x81] =	vst.msk $0xffff, v1  }
0x34: {  	s20 =	sadd.s32 $0x1, s20  }
0x35: {  	p1 =	sne.s32 s20, $0x4  }
.Ltmp4:
0x36: {  	_ = 	snop;
	(pc) =	sbr.rel @p1 .LBB1_3-.Ltmp4, $2  }
0x37: {  	_ =	sdelay $0x2  }
0x38: {  	[tilespmem:s23+$0x0 ss:$0x81] =	vst.msk $0xffff, v0;
	s17 =	sadd.s32 $0x1020, s17;
	s19 =	sadd.s32 $0x1000, s19  }
.Ltmp5:
0x39: {  	(pc) =	sbr.rel .LBB1_7-.Ltmp5, $4  }
0x3a: {  	s16 =	sshll.u32 s16, $0xE  }
0x3b: {  	s16 =	sadd.s32 s2, s16  }
0x3c: {  	s15 =	sadd.s32 s15, s16  }
0x3d: {  	[hbm4b:s15+s11] =	stream.strided.scatter [tilespmem:s18], [sflag:$0x2], $0x4000, s12, s11, $0x20;
	[tilespmem:$0x10100] =	vst v63  }
.LBB1_8:
0x3e: {  	_ =	sfence.sel $0x180000  }
0x3f: {  	s2 =	simm.s32 $0x1;
	[bflag:$0x0] =	sbarrier.arrive $0xFFFF  }
0x40: {  	s31 =	simm.s32 $0x2;
	[sflag:s2] =	ssyncpa.u1 $0x1  }
0x41: {  	[sflag:s31] =	ssyncpa.u1 $0x1  }
0x42: {  	p0 =	sne.s32 s0, $0x0;
	_ =	strace $0x9000004A  }
0x43: {  	s0 =	sadd.s32 @!p0 $0x100000, s1;
	[bflag:$0x2] =	sbarrier.arrive $0xFFFF  }
0x44: {  	[sflag:s0] =	ssyncadd.tile.s32 @!p0 $0x1;
	_ =	shalt  }
.Lfunc_end1:
_tile_overlayer_lowered:
.L_overlay_start_2:
0x45: {  	(tag) =	ssettag $0x2  }
0x46: {  	s0 =	rddreg [dreg:$0x0];
	s2 =	stileid.u32  }
0x47: {  	s1 =	rddreg [dreg:$0x1];
	p0 =	sne.s32 s2, $0x0  }
0x48: {  	s3 =	rddreg [dreg:$0x2];
	[bflag:$0x3] =	sbarrier.arrive $0xFFFF;
	s2 =	simm.s32 @!p0 $0x1C01  }
0x49: {  	[timem:s3], [sflag:s2] =	dma.local @!p0 [hbm:s0], s1  }
0x4a: {  	s0 =	simm.s32 @!p0 $0x1  }
0x4b: {  	_ =	swait.ge @!p0 [sflag:s0], s1  }
0x4c: {  	s1 =	ssub.s32 @!p0 $0x0, s1;
	[sflag:s0] =	ssyncset.done @!p0 $0x0  }
0x4d: {  	[sflag:s0] =	ssyncadd.s32 @!p0 s1  }
0x4e: {  	[bflag:$0x3] =	sbarrier.arrive $0xFFFF  }
0x4f: {  	_ =	shalt  }

</sc_bundles>
